<compile_context>
chip_gen: v7x
topology: tpu7x:2x2x1
jax: 0.10.2.dev20260603
libtpu: 0.0.44.dev20260713+nightly
codegen_flags: <defaults>
</compile_context>

<pallas_src>
import jax
import jax.numpy as jnp
from jax import lax
from jax.experimental import pallas as pl
from jax.experimental.pallas import tpu as pltpu
from jax.experimental.pallas import tpu_sc as plsc

B, S, V, D = 4096, 200, 1000, 128
K = 20
P = 1024
R = 1024
NC, NS = 2, 16
NW = NC * NS
CHUNK = (B * S) // NW
GL = 16
IMAX = 0x7FFFFFFF


def _gather_body(sv_hbm, rid_hbm, x_hbm, sc_out, rk_out,
                 sv_v, rid_v, idx_v, val_v, rk_v):
    wid = lax.axis_index("s") * NC + lax.axis_index("c")
    base = wid * CHUNK
    pltpu.sync_copy(sv_hbm, sv_v)
    pltpu.sync_copy(rid_hbm, rid_v)
    pltpu.sync_copy(x_hbm.at[pl.ds(base, CHUNK)], idx_v)

    @plsc.parallel_loop(0, CHUNK // GL, unroll=8)
    def body(i):
        o = i * GL
        idx = idx_v[pl.ds(o, GL)]
        val_v[pl.ds(o, GL)] = plsc.load_gather(sv_v, [idx])
        rk_v[pl.ds(o, GL)] = plsc.load_gather(rid_v, [idx])
    pltpu.sync_copy(val_v, sc_out.at[pl.ds(base, CHUNK)])
    pltpu.sync_copy(rk_v, rk_out.at[pl.ds(base, CHUNK)])


def _score_gather(sv_flat, rid_flat, x_flat):
    mesh = plsc.VectorSubcoreMesh(core_axis_name="c", subcore_axis_name="s")
    fn = pl.kernel(
        _gather_body,
        out_type=(
            jax.ShapeDtypeStruct((B * S,), jnp.float32),
            jax.ShapeDtypeStruct((B * S,), jnp.int32),
        ),
        mesh=mesh,
        scratch_types=[
            pltpu.VMEM((P,), jnp.float32),
            pltpu.VMEM((P,), jnp.int32),
            pltpu.VMEM((CHUNK,), jnp.int32),
            pltpu.VMEM((CHUNK,), jnp.float32),
            pltpu.VMEM((CHUNK,), jnp.int32),
        ],
        compiler_params=pltpu.CompilerParams(
            needs_layout_passes=False,
            disable_bounds_checks=True,
            disable_semaphore_checks=True),
    )
    return fn(sv_flat, rid_flat, x_flat)


def _topk_body(krank_ref, t_ref, a1m_ref, a1b_ref, a2m_ref, a2b_ref,
               c1m_ref, c1b_ref, c2r_ref, c2b_ref,
               idx_ref, pred_ref, att_ref):
    @pl.when(pl.program_id(0) == 0)
    def _():
        t = t_ref[...]
        a = jnp.dot(t, a1m_ref[...], preferred_element_type=jnp.float32)
        a = jnp.maximum(a + a1b_ref[...], 0.0)
        a = jnp.dot(a, a2m_ref[...], preferred_element_type=jnp.float32)
        att_ref[...] = a + a2b_ref[...]

    krk = krank_ref[...]
    pos = lax.broadcasted_iota(jnp.int32, (R, S), 1)
    key = ((krk >> 10) << 18) | (pos << 10) | (krk & 1023)
    viota = lax.broadcasted_iota(jnp.int32, (R, P), 1).astype(jnp.int16)
    m_cnt = jnp.zeros((R, P), jnp.int16)
    for j in range(K):
        kmin = jnp.min(key, axis=1, keepdims=True)
        idx_ref[:, pl.ds(j, 1)] = (kmin >> 10) & 255
        selid = (kmin & 1023).astype(jnp.int16)
        m_cnt = m_cnt + jnp.where(viota == selid,
                                  jnp.int16(1), jnp.int16(0))
        key = jnp.where(key == kmin, IMAX, key)
    pooled = jnp.dot(m_cnt.astype(jnp.float32), att_ref[...],
                     preferred_element_type=jnp.float32) * (1.0 / K)
    h = jnp.dot(pooled, c1m_ref[...], preferred_element_type=jnp.float32)
    h = jnp.maximum(h + c1b_ref[...], 0.0)
    logit = jnp.sum(h * c2r_ref[...], axis=1, keepdims=True) + c2b_ref[...]
    pred_ref[...] = jax.nn.sigmoid(logit)


def _topk(krank, table_p, A1, a1r, A2, a2r, C1, c1r, c2row, c2b):
    zero = lambda i: (0, 0)
    return pl.pallas_call(
        _topk_body,
        grid=(B // R,),
        in_specs=[
            pl.BlockSpec((R, S), lambda i: (i, 0)),
            pl.BlockSpec((P, D), zero),
            pl.BlockSpec((D, D), zero),
            pl.BlockSpec((1, D), zero),
            pl.BlockSpec((D, D), zero),
            pl.BlockSpec((1, D), zero),
            pl.BlockSpec((D, D // 2), zero),
            pl.BlockSpec((1, D // 2), zero),
            pl.BlockSpec((1, D // 2), zero),
            pl.BlockSpec((1, 1), zero),
        ],
        out_specs=(
            pl.BlockSpec((R, K), lambda i: (i, 0)),
            pl.BlockSpec((R, 1), lambda i: (i, 0)),
        ),
        out_shape=(
            jax.ShapeDtypeStruct((B, K), jnp.int32),
            jax.ShapeDtypeStruct((B, 1), jnp.float32),
        ),
        scratch_shapes=[pltpu.VMEM((P, D), jnp.float32)],
        compiler_params=pltpu.CompilerParams(disable_bounds_checks=True),
    )(krank, table_p, A1, a1r, A2, a2r, C1, c1r, c2row, c2b)


def kernel(x, table, W1, b1, W2, b2, W3, b3, A1, a1, A2, a2, C1, c1, C2, c2):
    h = jax.nn.relu(table @ W1 + b1)
    h = jax.nn.relu(h @ W2 + b2)
    sv = jax.nn.sigmoid((h @ W3 + b3).reshape(V))
    sv_flat = jnp.pad(sv, (0, P - V))
    rank = jnp.sum(sv[None, :] > sv[:, None], axis=1).astype(jnp.int32)
    rid = (rank << 10) | jnp.arange(V, dtype=jnp.int32)
    rid_flat = jnp.pad(rid, (0, P - V), constant_values=0x7FFFFFFF)

    scores_flat, krank_flat = _score_gather(sv_flat, rid_flat,
                                            x.reshape(B * S))
    final_scores = scores_flat.reshape(B, S)

    table_p = jnp.pad(table, ((0, P - V), (0, 0)))
    topidx, pred2d = _topk(
        krank_flat.reshape(B, S), table_p, A1, a1.reshape(1, -1),
        A2, a2.reshape(1, -1), C1, c1.reshape(1, -1),
        C2.reshape(1, -1), c2.reshape(1, 1))
    return (pred2d.reshape(B), topidx, final_scores)

# --- scband reference (transcript-rebuilt; emitter-appended) ---
"""Pipeline reference for scband-knowledge-guided-student-72791105732699 (READ-ONLY COPY).

The authoritative reference and input builder live on the scoring server;
editing this copy changes nothing except your own understanding.
"""

import jax, jax.numpy as jnp
import numpy as np

B, S, V, D = 4096, 200, 1000, 128

def setup_inputs(seed: int = 0) -> dict:
    key = jax.random.key(seed)
    ks = jax.random.split(key, 16)
    x = jax.random.randint(ks[0], (B, S), 0, V)
    table = jax.random.normal(ks[1], (V, D), dtype=jnp.float32) * 0.02
    # importance_net: D -> D//2 -> D//4 -> 1
    W1 = jax.random.normal(ks[2], (D, D // 2), dtype=jnp.float32) * 0.05
    b1 = jnp.zeros((D // 2,), dtype=jnp.float32)
    W2 = jax.random.normal(ks[3], (D // 2, D // 4), dtype=jnp.float32) * 0.05
    b2 = jnp.zeros((D // 4,), dtype=jnp.float32)
    W3 = jax.random.normal(ks[4], (D // 4, 1), dtype=jnp.float32) * 0.05
    b3 = jnp.zeros((1,), dtype=jnp.float32)
    # attention_approximator: D -> D -> D (dropout is identity in eval)
    A1 = jax.random.normal(ks[5], (D, D), dtype=jnp.float32) * 0.05
    a1 = jnp.zeros((D,), dtype=jnp.float32)
    A2 = jax.random.normal(ks[6], (D, D), dtype=jnp.float32) * 0.05
    a2 = jnp.zeros((D,), dtype=jnp.float32)
    # classifier: D -> D//2 -> 1
    C1 = jax.random.normal(ks[7], (D, D // 2), dtype=jnp.float32) * 0.05
    c1 = jnp.zeros((D // 2,), dtype=jnp.float32)
    C2 = jax.random.normal(ks[8], (D // 2, 1), dtype=jnp.float32) * 0.05
    c2 = jnp.zeros((1,), dtype=jnp.float32)
    return {"x": x, "table": table, "W1": W1, "b1": b1, "W2": W2, "b2": b2,
            "W3": W3, "b3": b3, "A1": A1, "a1": a1, "A2": A2, "a2": a2,
            "C1": C1, "c1": c1, "C2": C2, "c2": c2}

def reference(x, table, W1, b1, W2, b2, W3, b3, A1, a1, A2, a2, C1, c1, C2, c2):
    # embedding lookup
    emb = jnp.take(table, x, axis=0)  # [B, S, D]
    bsz, seq_len, d = emb.shape
    k = max(1, int(seq_len * 0.1))
    # importance_net per token
    flat = emb.reshape(-1, d)
    h = jax.nn.relu(flat @ W1 + b1)
    h = jax.nn.relu(h @ W2 + b2)
    learned = (h @ W3 + b3).reshape(bsz, seq_len)
    final_scores = jax.nn.sigmoid(learned)
    # top-k masking / selection
    top_values, top_indices = jax.lax.top_k(final_scores, k)
    selected = jnp.take_along_axis(emb, top_indices[:, :, None], axis=1)  # [B, k, D]
    # attention approximator (dropout -> identity in eval)
    att = jax.nn.relu(selected.reshape(-1, d) @ A1 + a1)
    att = (att @ A2 + a2).reshape(bsz, k, d)
    pooled = att.mean(axis=1)
    # classifier
    c = jax.nn.relu(pooled @ C1 + c1)
    pred = jax.nn.sigmoid(c @ C2 + c2).squeeze(-1)
    return (pred, top_indices, final_scores)

if __name__ == "__main__":
    import jax
    _d = setup_inputs()
    print(jax.jit(kernel)(*tuple(_d.values())))

</pallas_src>

<mosaic_0001>
#map = affine_map<(d0, d1) -> (0)>
module attributes {stable_mosaic.version = 14 : i64} {
  func.func @_gather_body(%arg0: i32, %arg1: i32, %arg2: memref<1024xf32, #tpu.memory_space<hbm>>, %arg3: memref<1024xi32, #tpu.memory_space<hbm>>, %arg4: memref<819200xi32, #tpu.memory_space<hbm>>, %arg5: memref<819200xf32, #tpu.memory_space<hbm>>, %arg6: memref<819200xi32, #tpu.memory_space<hbm>>, %arg7: memref<1024xf32, #tpu.memory_space<vmem>>, %arg8: memref<1024xi32, #tpu.memory_space<vmem>>, %arg9: memref<25600xi32, #tpu.memory_space<vmem>>, %arg10: memref<25600xf32, #tpu.memory_space<vmem>>, %arg11: memref<25600xi32, #tpu.memory_space<vmem>>) attributes {dimension_semantics = [#tpu.dimension_semantics<core_parallel>, #tpu.dimension_semantics<subcore_parallel>], iteration_bounds = array<i64: 2, 16>, scalar_prefetch = 0 : i64, scratch_operands = 5 : i64, tpu.core_type = #tpu.core_type<sc_vector_subcore>, window_params = [{transform_indices = #map}, {transform_indices = #map}, {transform_indices = #map}, {transform_indices = #map}, {transform_indices = #map}]} {
    %mul3A = arith.constant 2 : i32
    %mul3A_0 = arith.muli %arg1, %mul3A : i32
    %add3A = arith.addi %mul3A_0, %arg0 : i32
    %mul3A_1 = arith.constant 25600 : i32
    %mul3A_2 = arith.muli %add3A, %mul3A_1 : i32
    "tpu.region"() ({
      %run_scoped3A = tpu.sem_alloc : memref<!tpu.dma_semaphore, #tpu.memory_space<semaphore_mem>>
      tpu.enqueue_dma source(%arg2 : memref<1024xf32, #tpu.memory_space<hbm>>) target(%arg7 : memref<1024xf32, #tpu.memory_space<vmem>>) target_semaphore(%run_scoped3A : memref<!tpu.dma_semaphore, #tpu.memory_space<semaphore_mem>>)
      tpu.wait_dma2 semaphore(%run_scoped3A : memref<!tpu.dma_semaphore, #tpu.memory_space<semaphore_mem>>) src(%arg2 : memref<1024xf32, #tpu.memory_space<hbm>>) dst(%arg7 : memref<1024xf32, #tpu.memory_space<vmem>>)
      tpu.yield
    }) : () -> ()
    "tpu.region"() ({
      %run_scoped3A = tpu.sem_alloc : memref<!tpu.dma_semaphore, #tpu.memory_space<semaphore_mem>>
      tpu.enqueue_dma source(%arg3 : memref<1024xi32, #tpu.memory_space<hbm>>) target(%arg8 : memref<1024xi32, #tpu.memory_space<vmem>>) target_semaphore(%run_scoped3A : memref<!tpu.dma_semaphore, #tpu.memory_space<semaphore_mem>>)
      tpu.wait_dma2 semaphore(%run_scoped3A : memref<!tpu.dma_semaphore, #tpu.memory_space<semaphore_mem>>) src(%arg3 : memref<1024xi32, #tpu.memory_space<hbm>>) dst(%arg8 : memref<1024xi32, #tpu.memory_space<vmem>>)
      tpu.yield
    }) : () -> ()
    "tpu.region"() ({
      %run_scoped3A = tpu.sem_alloc : memref<!tpu.dma_semaphore, #tpu.memory_space<semaphore_mem>>
      %dma_start3A = tpu.memref_slice %arg4[%mul3A_2] : memref<819200xi32, #tpu.memory_space<hbm>> -> memref<25600xi32, #tpu.memory_space<hbm>>
      %dma_start3A_5 = tpu.memref_slice %arg4[%mul3A_2] : memref<819200xi32, #tpu.memory_space<hbm>> -> memref<25600xi32, #tpu.memory_space<hbm>>
      tpu.enqueue_dma source(%dma_start3A_5 : memref<25600xi32, #tpu.memory_space<hbm>>) target(%arg9 : memref<25600xi32, #tpu.memory_space<vmem>>) target_semaphore(%run_scoped3A : memref<!tpu.dma_semaphore, #tpu.memory_space<semaphore_mem>>)
      %dma_wait3A = tpu.memref_slice %arg4[%mul3A_2] : memref<819200xi32, #tpu.memory_space<hbm>> -> memref<25600xi32, #tpu.memory_space<hbm>>
      %dma_wait3A_6 = tpu.memref_slice %arg4[%mul3A_2] : memref<819200xi32, #tpu.memory_space<hbm>> -> memref<25600xi32, #tpu.memory_space<hbm>>
      tpu.wait_dma2 semaphore(%run_scoped3A : memref<!tpu.dma_semaphore, #tpu.memory_space<semaphore_mem>>) src(%dma_wait3A_6 : memref<25600xi32, #tpu.memory_space<hbm>>) dst(%arg9 : memref<25600xi32, #tpu.memory_space<vmem>>)
      tpu.yield
    }) : () -> ()
    %parallel_loop3A = arith.constant 0 : i32
    %parallel_loop3A_3 = arith.constant 1600 : i32
    %parallel_loop3A_4 = arith.constant 1 : i32
    scf.for %parallel_loop3A_5 = %parallel_loop3A to %parallel_loop3A_3 step %parallel_loop3A_4  : i32 {
      %parallel_loop3A_6 = arith.constant 16 : i32
      %parallel_loop3A_7 = arith.muli %parallel_loop3A_5, %parallel_loop3A_6 : i32
      %parallel_loop3A_8 = arith.index_cast %parallel_loop3A_7 : i32 to index
      %parallel_loop3A_9 = tpu.vector_load %arg9[%parallel_loop3A_8] {strides = array<i32>} : memref<25600xi32, #tpu.memory_space<vmem>>, vector<16xi32>,
      %parallel_loop3A_10 = tpu.vector_load_idx %arg7[%parallel_loop3A_9] : memref<1024xf32, #tpu.memory_space<vmem>>[vector<16xi32>], vector<16xf32>,
      %parallel_loop3A_11 = arith.index_cast %parallel_loop3A_7 : i32 to index
      %parallel_loop3A_12 = tpu.vector_load %arg10[%parallel_loop3A_11] {strides = array<i32>} : memref<25600xf32, #tpu.memory_space<vmem>>, vector<16xf32>,
      tpu.vector_store %arg10[%parallel_loop3A_11], %parallel_loop3A_10 {strides = array<i32>} : memref<25600xf32, #tpu.memory_space<vmem>>, vector<16xf32>,
      %parallel_loop3A_13 = tpu.vector_load_idx %arg8[%parallel_loop3A_9] : memref<1024xi32, #tpu.memory_space<vmem>>[vector<16xi32>], vector<16xi32>,
      %parallel_loop3A_14 = arith.index_cast %parallel_loop3A_7 : i32 to index
      %parallel_loop3A_15 = tpu.vector_load %arg11[%parallel_loop3A_14] {strides = array<i32>} : memref<25600xi32, #tpu.memory_space<vmem>>, vector<16xi32>,
      tpu.vector_store %arg11[%parallel_loop3A_14], %parallel_loop3A_13 {strides = array<i32>} : memref<25600xi32, #tpu.memory_space<vmem>>, vector<16xi32>,
    } {sc.loop_unroll_factor = 8 : i64, sc.parallel_access}
    "tpu.region"() ({
      %run_scoped3A = tpu.sem_alloc : memref<!tpu.dma_semaphore, #tpu.memory_space<semaphore_mem>>
      %dma_start3A = tpu.memref_slice %arg5[%mul3A_2] : memref<819200xf32, #tpu.memory_space<hbm>> -> memref<25600xf32, #tpu.memory_space<hbm>>
      %dma_start3A_5 = tpu.memref_slice %arg5[%mul3A_2] : memref<819200xf32, #tpu.memory_space<hbm>> -> memref<25600xf32, #tpu.memory_space<hbm>>
      tpu.enqueue_dma source(%arg10 : memref<25600xf32, #tpu.memory_space<vmem>>) target(%dma_start3A_5 : memref<25600xf32, #tpu.memory_space<hbm>>) target_semaphore(%run_scoped3A : memref<!tpu.dma_semaphore, #tpu.memory_space<semaphore_mem>>)
      %dma_wait3A = tpu.memref_slice %arg5[%mul3A_2] : memref<819200xf32, #tpu.memory_space<hbm>> -> memref<25600xf32, #tpu.memory_space<hbm>>
      %dma_wait3A_6 = tpu.memref_slice %arg5[%mul3A_2] : memref<819200xf32, #tpu.memory_space<hbm>> -> memref<25600xf32, #tpu.memory_space<hbm>>
      tpu.wait_dma2 semaphore(%run_scoped3A : memref<!tpu.dma_semaphore, #tpu.memory_space<semaphore_mem>>) src(%arg10 : memref<25600xf32, #tpu.memory_space<vmem>>) dst(%dma_wait3A_6 : memref<25600xf32, #tpu.memory_space<hbm>>)
      tpu.yield
    }) : () -> ()
    "tpu.region"() ({
      %run_scoped3A = tpu.sem_alloc : memref<!tpu.dma_semaphore, #tpu.memory_space<semaphore_mem>>
      %dma_start3A = tpu.memref_slice %arg6[%mul3A_2] : memref<819200xi32, #tpu.memory_space<hbm>> -> memref<25600xi32, #tpu.memory_space<hbm>>
      %dma_start3A_5 = tpu.memref_slice %arg6[%mul3A_2] : memref<819200xi32, #tpu.memory_space<hbm>> -> memref<25600xi32, #tpu.memory_space<hbm>>
      tpu.enqueue_dma source(%arg11 : memref<25600xi32, #tpu.memory_space<vmem>>) target(%dma_start3A_5 : memref<25600xi32, #tpu.memory_space<hbm>>) target_semaphore(%run_scoped3A : memref<!tpu.dma_semaphore, #tpu.memory_space<semaphore_mem>>)
      %dma_wait3A = tpu.memref_slice %arg6[%mul3A_2] : memref<819200xi32, #tpu.memory_space<hbm>> -> memref<25600xi32, #tpu.memory_space<hbm>>
      %dma_wait3A_6 = tpu.memref_slice %arg6[%mul3A_2] : memref<819200xi32, #tpu.memory_space<hbm>> -> memref<25600xi32, #tpu.memory_space<hbm>>
      tpu.wait_dma2 semaphore(%run_scoped3A : memref<!tpu.dma_semaphore, #tpu.memory_space<semaphore_mem>>) src(%arg11 : memref<25600xi32, #tpu.memory_space<vmem>>) dst(%dma_wait3A_6 : memref<25600xi32, #tpu.memory_space<hbm>>)
      tpu.yield
    }) : () -> ()
    return
  }
}

module attributes {stable_mosaic.version = 14 : i64} {
  func.func @_topk_body(%arg0: i32, %arg1: memref<1024x200xi32, #tpu.memory_space<vmem>>, %arg2: memref<1024x128xf32, #tpu.memory_space<vmem>>, %arg3: memref<128x128xf32, #tpu.memory_space<vmem>>, %arg4: memref<1x128xf32, #tpu.memory_space<vmem>>, %arg5: memref<128x128xf32, #tpu.memory_space<vmem>>, %arg6: memref<1x128xf32, #tpu.memory_space<vmem>>, %arg7: memref<128x64xf32, #tpu.memory_space<vmem>>, %arg8: memref<1x64xf32, #tpu.memory_space<vmem>>, %arg9: memref<1x64xf32, #tpu.memory_space<vmem>>, %arg10: memref<1x1xf32, #tpu.memory_space<vmem>>, %arg11: memref<1024x20xi32, #tpu.memory_space<vmem>>, %arg12: memref<1024x1xf32, #tpu.memory_space<vmem>>, %arg13: memref<1024x128xf32, #tpu.memory_space<vmem>>) attributes {dimension_semantics = [#tpu.dimension_semantics<arbitrary>], iteration_bounds = array<i64: 4>, scalar_prefetch = 0 : i64, scratch_operands = 1 : i64, tpu.core_type = #tpu.core_type<tc>, window_params = [{transform_indices = @transform_0, window_bounds = array<i64: 1024, 200>}, {pipeline_mode = #tpu.pipeline_mode<synchronous>, transform_indices = @transform_1, window_bounds = array<i64: 1024, 128>}, {pipeline_mode = #tpu.pipeline_mode<synchronous>, transform_indices = @transform_2, window_bounds = array<i64: 128, 128>}, {pipeline_mode = #tpu.pipeline_mode<synchronous>, transform_indices = @transform_3, window_bounds = array<i64: 1, 128>}, {pipeline_mode = #tpu.pipeline_mode<synchronous>, transform_indices = @transform_4, window_bounds = array<i64: 128, 128>}, {pipeline_mode = #tpu.pipeline_mode<synchronous>, transform_indices = @transform_5, window_bounds = array<i64: 1, 128>}, {pipeline_mode = #tpu.pipeline_mode<synchronous>, transform_indices = @transform_6, window_bounds = array<i64: 128, 64>}, {pipeline_mode = #tpu.pipeline_mode<synchronous>, transform_indices = @transform_7, window_bounds = array<i64: 1, 64>}, {pipeline_mode = #tpu.pipeline_mode<synchronous>, transform_indices = @transform_8, window_bounds = array<i64: 1, 64>}, {pipeline_mode = #tpu.pipeline_mode<synchronous>, transform_indices = @transform_9, window_bounds = array<i64: 1, 1>}, {transform_indices = @transform_10, window_bounds = array<i64: 1024, 20>}, {transform_indices = @transform_11, window_bounds = array<i64: 1024, 1>}]} {
    %eq3A = arith.constant 0 : i32
    %eq3A_0 = arith.cmpi eq, %arg0, %eq3A : i32
    %convert_element_type3A = arith.extui %eq3A_0 : i1 to i32
    %cond3A = arith.constant 0 : i32
    %cond3A_1 = arith.cmpi ne, %convert_element_type3A, %cond3A : i32
    scf.if %cond3A_1 {
      %get3A_626 = arith.constant 0 : index
      %get3A_627 = arith.constant 0 : index
      %get3A_628 = vector.load %arg2[%get3A_626, %get3A_627] : memref<1024x128xf32, #tpu.memory_space<vmem>>, vector<1024x128xf32>
      %get3A_629 = arith.constant 0 : index
      %get3A_630 = arith.constant 0 : index
      %get3A_631 = vector.load %arg3[%get3A_629, %get3A_630] : memref<128x128xf32, #tpu.memory_space<vmem>>, vector<128x128xf32>
      %dot_general3A_632 = arith.constant dense<0.000000e+00> : vector<1024x128xf32>
      %dot_general3A_633 = tpu.matmul %get3A_628, %get3A_631, %dot_general3A_632 {dimension_numbers = #tpu.dot_dimension_numbers<[1], [0], [0], [1], [0, 0, 1, 1], [], []>, transpose_lhs_hint = false} : vector<1024x128xf32>, vector<128x128xf32>, vector<1024x128xf32> -> vector<1024x128xf32>
      %get3A_634 = arith.constant 0 : index
      %get3A_635 = arith.constant 0 : index
      %get3A_636 = vector.load %arg4[%get3A_634, %get3A_635] : memref<1x128xf32, #tpu.memory_space<vmem>>, vector<1x128xf32>
      %add3A_637 = vector.broadcast %get3A_636 : vector<1x128xf32> to vector<1024x128xf32>
      %add3A_638 = arith.addf %dot_general3A_633, %add3A_637 : vector<1024x128xf32>
      %max3A_639 = arith.constant 0.000000e+00 : f32
      %max3A_640 = vector.broadcast %max3A_639 : f32 to vector<1024x128xf32>
      %max3A_641 = arith.maximumf %add3A_638, %max3A_640 : vector<1024x128xf32>
      %get3A_642 = arith.constant 0 : index
      %get3A_643 = arith.constant 0 : index
      %get3A_644 = vector.load %arg5[%get3A_642, %get3A_643] : memref<128x128xf32, #tpu.memory_space<vmem>>, vector<128x128xf32>
      %dot_general3A_645 = arith.constant dense<0.000000e+00> : vector<1024x128xf32>
      %dot_general3A_646 = tpu.matmul %max3A_641, %get3A_644, %dot_general3A_645 {dimension_numbers = #tpu.dot_dimension_numbers<[1], [0], [0], [1], [0, 0, 1, 1], [], []>, transpose_lhs_hint = false} : vector<1024x128xf32>, vector<128x128xf32>, vector<1024x128xf32> -> vector<1024x128xf32>
      %get3A_647 = arith.constant 0 : index
      %get3A_648 = arith.constant 0 : index
      %get3A_649 = vector.load %arg6[%get3A_647, %get3A_648] : memref<1x128xf32, #tpu.memory_space<vmem>>, vector<1x128xf32>
      %add3A_650 = vector.broadcast %get3A_649 : vector<1x128xf32> to vector<1024x128xf32>
      %add3A_651 = arith.addf %dot_general3A_646, %add3A_650 : vector<1024x128xf32>
      %swap3A_652 = arith.constant 0 : index
      %swap3A_653 = arith.constant 0 : index
      %swap3A_654 = vector.load %arg13[%swap3A_652, %swap3A_653] : memref<1024x128xf32, #tpu.memory_space<vmem>>, vector<1024x128xf32>
      tpu.vector_store %arg13[%swap3A_652, %swap3A_653], %add3A_651 {strides = array<i32>} : memref<1024x128xf32, #tpu.memory_space<vmem>>, vector<1024x128xf32>,
    } else {
    }
    %get3A = arith.constant 0 : index
    %get3A_2 = arith.constant 0 : index
    %get3A_3 = vector.load %arg1[%get3A, %get3A_2] : memref<1024x200xi32, #tpu.memory_space<vmem>>, vector<1024x200xi32>
    %iota3A = tpu.iota {dimensions = array<i32: 1>} : vector<1024x200xi32>
    %shift_right_arithmetic3A = arith.constant 10 : i32
    %shift_right_arithmetic3A_4 = vector.broadcast %shift_right_arithmetic3A : i32 to vector<1024x200xi32>
    %shift_right_arithmetic3A_5 = arith.shrsi %get3A_3, %shift_right_arithmetic3A_4 : vector<1024x200xi32>
    %shift_left3A = arith.constant 18 : i32
    %shift_left3A_6 = vector.broadcast %shift_left3A : i32 to vector<1024x200xi32>
    %shift_left3A_7 = arith.shli %shift_right_arithmetic3A_5, %shift_left3A_6 : vector<1024x200xi32>
    %shift_left3A_8 = arith.constant 10 : i32
    %shift_left3A_9 = vector.broadcast %shift_left3A_8 : i32 to vector<1024x200xi32>
    %shift_left3A_10 = arith.shli %iota3A, %shift_left3A_9 : vector<1024x200xi32>
    %or3A = arith.ori %shift_left3A_7, %shift_left3A_10 : vector<1024x200xi32>
    %and3A = arith.constant 1023 : i32
    %and3A_11 = vector.broadcast %and3A : i32 to vector<1024x200xi32>
    %and3A_12 = arith.andi %get3A_3, %and3A_11 : vector<1024x200xi32>
    %or3A_13 = arith.ori %or3A, %and3A_12 : vector<1024x200xi32>
    %iota3A_14 = tpu.iota {dimensions = array<i32: 1>} : vector<1024x1024xi32>
    %convert_element_type3A_15 = arith.trunci %iota3A_14 : vector<1024x1024xi32> to vector<1024x1024xi16>
    %broadcast_in_dim3A = arith.constant 0 : i16
    %broadcast_in_dim3A_16 = vector.broadcast %broadcast_in_dim3A : i16 to vector<1024x1024xi16>
    %reduce_min3A = arith.constant dense<2147483647> : vector<1024xi32>
    %reduce_min3A_17 = vector.multi_reduction <minsi>, %or3A_13, %reduce_min3A [1] : vector<1024x200xi32> to vector<1024xi32>
    %broadcast_in_dim3A_18 = vector.shape_cast %reduce_min3A_17 : vector<1024xi32> to vector<1024x1xi32>
    %shift_right_arithmetic3A_19 = arith.constant 10 : i32
    %shift_right_arithmetic3A_20 = vector.broadcast %shift_right_arithmetic3A_19 : i32 to vector<1024x1xi32>
    %shift_right_arithmetic3A_21 = arith.shrsi %broadcast_in_dim3A_18, %shift_right_arithmetic3A_20 : vector<1024x1xi32>
    %and3A_22 = arith.constant 255 : i32
    %and3A_23 = vector.broadcast %and3A_22 : i32 to vector<1024x1xi32>
    %and3A_24 = arith.andi %shift_right_arithmetic3A_21, %and3A_23 : vector<1024x1xi32>
    %swap3A = arith.constant 0 : index
    %swap3A_25 = arith.constant 0 : index
    %swap3A_26 = vector.load %arg11[%swap3A, %swap3A_25] : memref<1024x20xi32, #tpu.memory_space<vmem>>, vector<1024x1xi32>
    tpu.vector_store %arg11[%swap3A, %swap3A_25], %and3A_24 {strides = array<i32>} : memref<1024x20xi32, #tpu.memory_space<vmem>>, vector<1024x1xi32>,
    %and3A_27 = arith.constant 1023 : i32
    %and3A_28 = vector.broadcast %and3A_27 : i32 to vector<1024x1xi32>
    %and3A_29 = arith.andi %broadcast_in_dim3A_18, %and3A_28 : vector<1024x1xi32>
    %convert_element_type3A_30 = arith.trunci %and3A_29 : vector<1024x1xi32> to vector<1024x1xi16>
    %eq3A_31 = vector.broadcast %convert_element_type3A_30 : vector<1024x1xi16> to vector<1024x1024xi16>
    %eq3A_32 = arith.cmpi eq, %convert_element_type3A_15, %eq3A_31 : vector<1024x1024xi16>
    %jit3A = arith.constant 1 : i16
    %jit3A_33 = arith.constant 0 : i16
    %broadcast_in_dim3A_34 = vector.broadcast %jit3A : i16 to vector<1024x1024xi16>
    %broadcast_in_dim3A_35 = vector.broadcast %jit3A_33 : i16 to vector<1024x1024xi16>
    %select_n3A = arith.select %eq3A_32, %broadcast_in_dim3A_34, %broadcast_in_dim3A_35 : vector<1024x1024xi1>, vector<1024x1024xi16>
    %add3A = arith.addi %broadcast_in_dim3A_16, %select_n3A : vector<1024x1024xi16>
    %eq3A_36 = vector.broadcast %broadcast_in_dim3A_18 : vector<1024x1xi32> to vector<1024x200xi32>
    %eq3A_37 = arith.cmpi eq, %or3A_13, %eq3A_36 : vector<1024x200xi32>
    %jit3A_38 = arith.constant 2147483647 : i32
    %broadcast_in_dim3A_39 = vector.broadcast %jit3A_38 : i32 to vector<1024x200xi32>
    %select_n3A_40 = arith.select %eq3A_37, %broadcast_in_dim3A_39, %or3A_13 : vector<1024x200xi1>, vector<1024x200xi32>
    %reduce_min3A_41 = arith.constant dense<2147483647> : vector<1024xi32>
    %reduce_min3A_42 = vector.multi_reduction <minsi>, %select_n3A_40, %reduce_min3A_41 [1] : vector<1024x200xi32> to vector<1024xi32>
    %broadcast_in_dim3A_43 = vector.shape_cast %reduce_min3A_42 : vector<1024xi32> to vector<1024x1xi32>
    %shift_right_arithmetic3A_44 = arith.constant 10 : i32
    %shift_right_arithmetic3A_45 = vector.broadcast %shift_right_arithmetic3A_44 : i32 to vector<1024x1xi32>
    %shift_right_arithmetic3A_46 = arith.shrsi %broadcast_in_dim3A_43, %shift_right_arithmetic3A_45 : vector<1024x1xi32>
    %and3A_47 = arith.constant 255 : i32
    %and3A_48 = vector.broadcast %and3A_47 : i32 to vector<1024x1xi32>
    %and3A_49 = arith.andi %shift_right_arithmetic3A_46, %and3A_48 : vector<1024x1xi32>
    %swap3A_50 = arith.constant 0 : index
    %swap3A_51 = arith.constant 1 : index
    %swap3A_52 = vector.load %arg11[%swap3A_50, %swap3A_51] : memref<1024x20xi32, #tpu.memory_space<vmem>>, vector<1024x1xi32>
    tpu.vector_store %arg11[%swap3A_50, %swap3A_51], %and3A_49 {strides = array<i32>} : memref<1024x20xi32, #tpu.memory_space<vmem>>, vector<1024x1xi32>,
    %and3A_53 = arith.constant 1023 : i32
    %and3A_54 = vector.broadcast %and3A_53 : i32 to vector<1024x1xi32>
    %and3A_55 = arith.andi %broadcast_in_dim3A_43, %and3A_54 : vector<1024x1xi32>
    %convert_element_type3A_56 = arith.trunci %and3A_55 : vector<1024x1xi32> to vector<1024x1xi16>
    %eq3A_57 = vector.broadcast %convert_element_type3A_56 : vector<1024x1xi16> to vector<1024x1024xi16>
    %eq3A_58 = arith.cmpi eq, %convert_element_type3A_15, %eq3A_57 : vector<1024x1024xi16>
    %jit3A_59 = arith.constant 1 : i16
    %jit3A_60 = arith.constant 0 : i16
    %broadcast_in_dim3A_61 = vector.broadcast %jit3A_59 : i16 to vector<1024x1024xi16>
    %broadcast_in_dim3A_62 = vector.broadcast %jit3A_60 : i16 to vector<1024x1024xi16>
    %select_n3A_63 = arith.select %eq3A_58, %broadcast_in_dim3A_61, %broadcast_in_dim3A_62 : vector<1024x1024xi1>, vector<1024x1024xi16>
    %add3A_64 = arith.addi %add3A, %select_n3A_63 : vector<1024x1024xi16>
    %eq3A_65 = vector.broadcast %broadcast_in_dim3A_43 : vector<1024x1xi32> to vector<1024x200xi32>
    %eq3A_66 = arith.cmpi eq, %select_n3A_40, %eq3A_65 : vector<1024x200xi32>
    %jit3A_67 = arith.constant 2147483647 : i32
    %broadcast_in_dim3A_68 = vector.broadcast %jit3A_67 : i32 to vector<1024x200xi32>
    %select_n3A_69 = arith.select %eq3A_66, %broadcast_in_dim3A_68, %select_n3A_40 : vector<1024x200xi1>, vector<1024x200xi32>
    %reduce_min3A_70 = arith.constant dense<2147483647> : vector<1024xi32>
    %reduce_min3A_71 = vector.multi_reduction <minsi>, %select_n3A_69, %reduce_min3A_70 [1] : vector<1024x200xi32> to vector<1024xi32>
    %broadcast_in_dim3A_72 = vector.shape_cast %reduce_min3A_71 : vector<1024xi32> to vector<1024x1xi32>
    %shift_right_arithmetic3A_73 = arith.constant 10 : i32
    %shift_right_arithmetic3A_74 = vector.broadcast %shift_right_arithmetic3A_73 : i32 to vector<1024x1xi32>
    %shift_right_arithmetic3A_75 = arith.shrsi %broadcast_in_dim3A_72, %shift_right_arithmetic3A_74 : vector<1024x1xi32>
    %and3A_76 = arith.constant 255 : i32
    %and3A_77 = vector.broadcast %and3A_76 : i32 to vector<1024x1xi32>
    %and3A_78 = arith.andi %shift_right_arithmetic3A_75, %and3A_77 : vector<1024x1xi32>
    %swap3A_79 = arith.constant 0 : index
    %swap3A_80 = arith.constant 2 : index
    %swap3A_81 = vector.load %arg11[%swap3A_79, %swap3A_80] : memref<1024x20xi32, #tpu.memory_space<vmem>>, vector<1024x1xi32>
    tpu.vector_store %arg11[%swap3A_79, %swap3A_80], %and3A_78 {strides = array<i32>} : memref<1024x20xi32, #tpu.memory_space<vmem>>, vector<1024x1xi32>,
    %and3A_82 = arith.constant 1023 : i32
    %and3A_83 = vector.broadcast %and3A_82 : i32 to vector<1024x1xi32>
    %and3A_84 = arith.andi %broadcast_in_dim3A_72, %and3A_83 : vector<1024x1xi32>
    %convert_element_type3A_85 = arith.trunci %and3A_84 : vector<1024x1xi32> to vector<1024x1xi16>
    %eq3A_86 = vector.broadcast %convert_element_type3A_85 : vector<1024x1xi16> to vector<1024x1024xi16>
    %eq3A_87 = arith.cmpi eq, %convert_element_type3A_15, %eq3A_86 : vector<1024x1024xi16>
    %jit3A_88 = arith.constant 1 : i16
    %jit3A_89 = arith.constant 0 : i16
    %broadcast_in_dim3A_90 = vector.broadcast %jit3A_88 : i16 to vector<1024x1024xi16>
    %broadcast_in_dim3A_91 = vector.broadcast %jit3A_89 : i16 to vector<1024x1024xi16>
    %select_n3A_92 = arith.select %eq3A_87, %broadcast_in_dim3A_90, %broadcast_in_dim3A_91 : vector<1024x1024xi1>, vector<1024x1024xi16>
    %add3A_93 = arith.addi %add3A_64, %select_n3A_92 : vector<1024x1024xi16>
    %eq3A_94 = vector.broadcast %broadcast_in_dim3A_72 : vector<1024x1xi32> to vector<1024x200xi32>
    %eq3A_95 = arith.cmpi eq, %select_n3A_69, %eq3A_94 : vector<1024x200xi32>
    %jit3A_96 = arith.constant 2147483647 : i32
    %broadcast_in_dim3A_97 = vector.broadcast %jit3A_96 : i32 to vector<1024x200xi32>
    %select_n3A_98 = arith.select %eq3A_95, %broadcast_in_dim3A_97, %select_n3A_69 : vector<1024x200xi1>, vector<1024x200xi32>
    %reduce_min3A_99 = arith.constant dense<2147483647> : vector<1024xi32>
    %reduce_min3A_100 = vector.multi_reduction <minsi>, %select_n3A_98, %reduce_min3A_99 [1] : vector<1024x200xi32> to vector<1024xi32>
    %broadcast_in_dim3A_101 = vector.shape_cast %reduce_min3A_100 : vector<1024xi32> to vector<1024x1xi32>
    %shift_right_arithmetic3A_102 = arith.constant 10 : i32
    %shift_right_arithmetic3A_103 = vector.broadcast %shift_right_arithmetic3A_102 : i32 to vector<1024x1xi32>
    %shift_right_arithmetic3A_104 = arith.shrsi %broadcast_in_dim3A_101, %shift_right_arithmetic3A_103 : vector<1024x1xi32>
    %and3A_105 = arith.constant 255 : i32
    %and3A_106 = vector.broadcast %and3A_105 : i32 to vector<1024x1xi32>
    %and3A_107 = arith.andi %shift_right_arithmetic3A_104, %and3A_106 : vector<1024x1xi32>
    %swap3A_108 = arith.constant 0 : index
    %swap3A_109 = arith.constant 3 : index
    %swap3A_110 = vector.load %arg11[%swap3A_108, %swap3A_109] : memref<1024x20xi32, #tpu.memory_space<vmem>>, vector<1024x1xi32>
    tpu.vector_store %arg11[%swap3A_108, %swap3A_109], %and3A_107 {strides = array<i32>} : memref<1024x20xi32, #tpu.memory_space<vmem>>, vector<1024x1xi32>,
    %and3A_111 = arith.constant 1023 : i32
    %and3A_112 = vector.broadcast %and3A_111 : i32 to vector<1024x1xi32>
    %and3A_113 = arith.andi %broadcast_in_dim3A_101, %and3A_112 : vector<1024x1xi32>
    %convert_element_type3A_114 = arith.trunci %and3A_113 : vector<1024x1xi32> to vector<1024x1xi16>
    %eq3A_115 = vector.broadcast %convert_element_type3A_114 : vector<1024x1xi16> to vector<1024x1024xi16>
    %eq3A_116 = arith.cmpi eq, %convert_element_type3A_15, %eq3A_115 : vector<1024x1024xi16>
    %jit3A_117 = arith.constant 1 : i16
    %jit3A_118 = arith.constant 0 : i16
    %broadcast_in_dim3A_119 = vector.broadcast %jit3A_117 : i16 to vector<1024x1024xi16>
    %broadcast_in_dim3A_120 = vector.broadcast %jit3A_118 : i16 to vector<1024x1024xi16>
    %select_n3A_121 = arith.select %eq3A_116, %broadcast_in_dim3A_119, %broadcast_in_dim3A_120 : vector<1024x1024xi1>, vector<1024x1024xi16>
    %add3A_122 = arith.addi %add3A_93, %select_n3A_121 : vector<1024x1024xi16>
    %eq3A_123 = vector.broadcast %broadcast_in_dim3A_101 : vector<1024x1xi32> to vector<1024x200xi32>
    %eq3A_124 = arith.cmpi eq, %select_n3A_98, %eq3A_123 : vector<1024x200xi32>
    %jit3A_125 = arith.constant 2147483647 : i32
    %broadcast_in_dim3A_126 = vector.broadcast %jit3A_125 : i32 to vector<1024x200xi32>
    %select_n3A_127 = arith.select %eq3A_124, %broadcast_in_dim3A_126, %select_n3A_98 : vector<1024x200xi1>, vector<1024x200xi32>
    %reduce_min3A_128 = arith.constant dense<2147483647> : vector<1024xi32>
    %reduce_min3A_129 = vector.multi_reduction <minsi>, %select_n3A_127, %reduce_min3A_128 [1] : vector<1024x200xi32> to vector<1024xi32>
    %broadcast_in_dim3A_130 = vector.shape_cast %reduce_min3A_129 : vector<1024xi32> to vector<1024x1xi32>
    %shift_right_arithmetic3A_131 = arith.constant 10 : i32
    %shift_right_arithmetic3A_132 = vector.broadcast %shift_right_arithmetic3A_131 : i32 to vector<1024x1xi32>
    %shift_right_arithmetic3A_133 = arith.shrsi %broadcast_in_dim3A_130, %shift_right_arithmetic3A_132 : vector<1024x1xi32>
    %and3A_134 = arith.constant 255 : i32
    %and3A_135 = vector.broadcast %and3A_134 : i32 to vector<1024x1xi32>
    %and3A_136 = arith.andi %shift_right_arithmetic3A_133, %and3A_135 : vector<1024x1xi32>
    %swap3A_137 = arith.constant 0 : index
    %swap3A_138 = arith.constant 4 : index
    %swap3A_139 = vector.load %arg11[%swap3A_137, %swap3A_138] : memref<1024x20xi32, #tpu.memory_space<vmem>>, vector<1024x1xi32>
    tpu.vector_store %arg11[%swap3A_137, %swap3A_138], %and3A_136 {strides = array<i32>} : memref<1024x20xi32, #tpu.memory_space<vmem>>, vector<1024x1xi32>,
    %and3A_140 = arith.constant 1023 : i32
    %and3A_141 = vector.broadcast %and3A_140 : i32 to vector<1024x1xi32>
    %and3A_142 = arith.andi %broadcast_in_dim3A_130, %and3A_141 : vector<1024x1xi32>
    %convert_element_type3A_143 = arith.trunci %and3A_142 : vector<1024x1xi32> to vector<1024x1xi16>
    %eq3A_144 = vector.broadcast %convert_element_type3A_143 : vector<1024x1xi16> to vector<1024x1024xi16>
    %eq3A_145 = arith.cmpi eq, %convert_element_type3A_15, %eq3A_144 : vector<1024x1024xi16>
    %jit3A_146 = arith.constant 1 : i16
    %jit3A_147 = arith.constant 0 : i16
    %broadcast_in_dim3A_148 = vector.broadcast %jit3A_146 : i16 to vector<1024x1024xi16>
    %broadcast_in_dim3A_149 = vector.broadcast %jit3A_147 : i16 to vector<1024x1024xi16>
    %select_n3A_150 = arith.select %eq3A_145, %broadcast_in_dim3A_148, %broadcast_in_dim3A_149 : vector<1024x1024xi1>, vector<1024x1024xi16>
    %add3A_151 = arith.addi %add3A_122, %select_n3A_150 : vector<1024x1024xi16>
    %eq3A_152 = vector.broadcast %broadcast_in_dim3A_130 : vector<1024x1xi32> to vector<1024x200xi32>
    %eq3A_153 = arith.cmpi eq, %select_n3A_127, %eq3A_152 : vector<1024x200xi32>
    %jit3A_154 = arith.constant 2147483647 : i32
    %broadcast_in_dim3A_155 = vector.broadcast %jit3A_154 : i32 to vector<1024x200xi32>
    %select_n3A_156 = arith.select %eq3A_153, %broadcast_in_dim3A_155, %select_n3A_127 : vector<1024x200xi1>, vector<1024x200xi32>
    %reduce_min3A_157 = arith.constant dense<2147483647> : vector<1024xi32>
    %reduce_min3A_158 = vector.multi_reduction <minsi>, %select_n3A_156, %reduce_min3A_157 [1] : vector<1024x200xi32> to vector<1024xi32>
    %broadcast_in_dim3A_159 = vector.shape_cast %reduce_min3A_158 : vector<1024xi32> to vector<1024x1xi32>
    %shift_right_arithmetic3A_160 = arith.constant 10 : i32
    %shift_right_arithmetic3A_161 = vector.broadcast %shift_right_arithmetic3A_160 : i32 to vector<1024x1xi32>
    %shift_right_arithmetic3A_162 = arith.shrsi %broadcast_in_dim3A_159, %shift_right_arithmetic3A_161 : vector<1024x1xi32>
    %and3A_163 = arith.constant 255 : i32
    %and3A_164 = vector.broadcast %and3A_163 : i32 to vector<1024x1xi32>
    %and3A_165 = arith.andi %shift_right_arithmetic3A_162, %and3A_164 : vector<1024x1xi32>
    %swap3A_166 = arith.constant 0 : index
    %swap3A_167 = arith.constant 5 : index
    %swap3A_168 = vector.load %arg11[%swap3A_166, %swap3A_167] : memref<1024x20xi32, #tpu.memory_space<vmem>>, vector<1024x1xi32>
    tpu.vector_store %arg11[%swap3A_166, %swap3A_167], %and3A_165 {strides = array<i32>} : memref<1024x20xi32, #tpu.memory_space<vmem>>, vector<1024x1xi32>,
    %and3A_169 = arith.constant 1023 : i32
    %and3A_170 = vector.broadcast %and3A_169 : i32 to vector<1024x1xi32>
    %and3A_171 = arith.andi %broadcast_in_dim3A_159, %and3A_170 : vector<1024x1xi32>
    %convert_element_type3A_172 = arith.trunci %and3A_171 : vector<1024x1xi32> to vector<1024x1xi16>
    %eq3A_173 = vector.broadcast %convert_element_type3A_172 : vector<1024x1xi16> to vector<1024x1024xi16>
    %eq3A_174 = arith.cmpi eq, %convert_element_type3A_15, %eq3A_173 : vector<1024x1024xi16>
    %jit3A_175 = arith.constant 1 : i16
    %jit3A_176 = arith.constant 0 : i16
    %broadcast_in_dim3A_177 = vector.broadcast %jit3A_175 : i16 to vector<1024x1024xi16>
    %broadcast_in_dim3A_178 = vector.broadcast %jit3A_176 : i16 to vector<1024x1024xi16>
    %select_n3A_179 = arith.select %eq3A_174, %broadcast_in_dim3A_177, %broadcast_in_dim3A_178 : vector<1024x1024xi1>, vector<1024x1024xi16>
    %add3A_180 = arith.addi %add3A_151, %select_n3A_179 : vector<1024x1024xi16>
    %eq3A_181 = vector.broadcast %broadcast_in_dim3A_159 : vector<1024x1xi32> to vector<1024x200xi32>
    %eq3A_182 = arith.cmpi eq, %select_n3A_156, %eq3A_181 : vector<1024x200xi32>
    %jit3A_183 = arith.constant 2147483647 : i32
    %broadcast_in_dim3A_184 = vector.broadcast %jit3A_183 : i32 to vector<1024x200xi32>
    %select_n3A_185 = arith.select %eq3A_182, %broadcast_in_dim3A_184, %select_n3A_156 : vector<1024x200xi1>, vector<1024x200xi32>
    %reduce_min3A_186 = arith.constant dense<2147483647> : vector<1024xi32>
    %reduce_min3A_187 = vector.multi_reduction <minsi>, %select_n3A_185, %reduce_min3A_186 [1] : vector<1024x200xi32> to vector<1024xi32>
    %broadcast_in_dim3A_188 = vector.shape_cast %reduce_min3A_187 : vector<1024xi32> to vector<1024x1xi32>
    %shift_right_arithmetic3A_189 = arith.constant 10 : i32
    %shift_right_arithmetic3A_190 = vector.broadcast %shift_right_arithmetic3A_189 : i32 to vector<1024x1xi32>
    %shift_right_arithmetic3A_191 = arith.shrsi %broadcast_in_dim3A_188, %shift_right_arithmetic3A_190 : vector<1024x1xi32>
    %and3A_192 = arith.constant 255 : i32
    %and3A_193 = vector.broadcast %and3A_192 : i32 to vector<1024x1xi32>
    %and3A_194 = arith.andi %shift_right_arithmetic3A_191, %and3A_193 : vector<1024x1xi32>
    %swap3A_195 = arith.constant 0 : index
    %swap3A_196 = arith.constant 6 : index
    %swap3A_197 = vector.load %arg11[%swap3A_195, %swap3A_196] : memref<1024x20xi32, #tpu.memory_space<vmem>>, vector<1024x1xi32>
    tpu.vector_store %arg11[%swap3A_195, %swap3A_196], %and3A_194 {strides = array<i32>} : memref<1024x20xi32, #tpu.memory_space<vmem>>, vector<1024x1xi32>,
    %and3A_198 = arith.constant 1023 : i32
    %and3A_199 = vector.broadcast %and3A_198 : i32 to vector<1024x1xi32>
    %and3A_200 = arith.andi %broadcast_in_dim3A_188, %and3A_199 : vector<1024x1xi32>
    %convert_element_type3A_201 = arith.trunci %and3A_200 : vector<1024x1xi32> to vector<1024x1xi16>
    %eq3A_202 = vector.broadcast %convert_element_type3A_201 : vector<1024x1xi16> to vector<1024x1024xi16>
    %eq3A_203 = arith.cmpi eq, %convert_element_type3A_15, %eq3A_202 : vector<1024x1024xi16>
    %jit3A_204 = arith.constant 1 : i16
    %jit3A_205 = arith.constant 0 : i16
    %broadcast_in_dim3A_206 = vector.broadcast %jit3A_204 : i16 to vector<1024x1024xi16>
    %broadcast_in_dim3A_207 = vector.broadcast %jit3A_205 : i16 to vector<1024x1024xi16>
    %select_n3A_208 = arith.select %eq3A_203, %broadcast_in_dim3A_206, %broadcast_in_dim3A_207 : vector<1024x1024xi1>, vector<1024x1024xi16>
    %add3A_209 = arith.addi %add3A_180, %select_n3A_208 : vector<1024x1024xi16>
    %eq3A_210 = vector.broadcast %broadcast_in_dim3A_188 : vector<1024x1xi32> to vector<1024x200xi32>
    %eq3A_211 = arith.cmpi eq, %select_n3A_185, %eq3A_210 : vector<1024x200xi32>
    %jit3A_212 = arith.constant 2147483647 : i32
    %broadcast_in_dim3A_213 = vector.broadcast %jit3A_212 : i32 to vector<1024x200xi32>
    %select_n3A_214 = arith.select %eq3A_211, %broadcast_in_dim3A_213, %select_n3A_185 : vector<1024x200xi1>, vector<1024x200xi32>
    %reduce_min3A_215 = arith.constant dense<2147483647> : vector<1024xi32>
    %reduce_min3A_216 = vector.multi_reduction <minsi>, %select_n3A_214, %reduce_min3A_215 [1] : vector<1024x200xi32> to vector<1024xi32>
    %broadcast_in_dim3A_217 = vector.shape_cast %reduce_min3A_216 : vector<1024xi32> to vector<1024x1xi32>
    %shift_right_arithmetic3A_218 = arith.constant 10 : i32
    %shift_right_arithmetic3A_219 = vector.broadcast %shift_right_arithmetic3A_218 : i32 to vector<1024x1xi32>
    %shift_right_arithmetic3A_220 = arith.shrsi %broadcast_in_dim3A_217, %shift_right_arithmetic3A_219 : vector<1024x1xi32>
    %and3A_221 = arith.constant 255 : i32
    %and3A_222 = vector.broadcast %and3A_221 : i32 to vector<1024x1xi32>
    %and3A_223 = arith.andi %shift_right_arithmetic3A_220, %and3A_222 : vector<1024x1xi32>
    %swap3A_224 = arith.constant 0 : index
    %swap3A_225 = arith.constant 7 : index
    %swap3A_226 = vector.load %arg11[%swap3A_224, %swap3A_225] : memref<1024x20xi32, #tpu.memory_space<vmem>>, vector<1024x1xi32>
    tpu.vector_store %arg11[%swap3A_224, %swap3A_225], %and3A_223 {strides = array<i32>} : memref<1024x20xi32, #tpu.memory_space<vmem>>, vector<1024x1xi32>,
    %and3A_227 = arith.constant 1023 : i32
    %and3A_228 = vector.broadcast %and3A_227 : i32 to vector<1024x1xi32>
    %and3A_229 = arith.andi %broadcast_in_dim3A_217, %and3A_228 : vector<1024x1xi32>
    %convert_element_type3A_230 = arith.trunci %and3A_229 : vector<1024x1xi32> to vector<1024x1xi16>
    %eq3A_231 = vector.broadcast %convert_element_type3A_230 : vector<1024x1xi16> to vector<1024x1024xi16>
    %eq3A_232 = arith.cmpi eq, %convert_element_type3A_15, %eq3A_231 : vector<1024x1024xi16>
    %jit3A_233 = arith.constant 1 : i16
    %jit3A_234 = arith.constant 0 : i16
    %broadcast_in_dim3A_235 = vector.broadcast %jit3A_233 : i16 to vector<1024x1024xi16>
    %broadcast_in_dim3A_236 = vector.broadcast %jit3A_234 : i16 to vector<1024x1024xi16>
    %select_n3A_237 = arith.select %eq3A_232, %broadcast_in_dim3A_235, %broadcast_in_dim3A_236 : vector<1024x1024xi1>, vector<1024x1024xi16>
    %add3A_238 = arith.addi %add3A_209, %select_n3A_237 : vector<1024x1024xi16>
    %eq3A_239 = vector.broadcast %broadcast_in_dim3A_217 : vector<1024x1xi32> to vector<1024x200xi32>
    %eq3A_240 = arith.cmpi eq, %select_n3A_214, %eq3A_239 : vector<1024x200xi32>
    %jit3A_241 = arith.constant 2147483647 : i32
    %broadcast_in_dim3A_242 = vector.broadcast %jit3A_241 : i32 to vector<1024x200xi32>
    %select_n3A_243 = arith.select %eq3A_240, %broadcast_in_dim3A_242, %select_n3A_214 : vector<1024x200xi1>, vector<1024x200xi32>
    %reduce_min3A_244 = arith.constant dense<2147483647> : vector<1024xi32>
    %reduce_min3A_245 = vector.multi_reduction <minsi>, %select_n3A_243, %reduce_min3A_244 [1] : vector<1024x200xi32> to vector<1024xi32>
    %broadcast_in_dim3A_246 = vector.shape_cast %reduce_min3A_245 : vector<1024xi32> to vector<1024x1xi32>
    %shift_right_arithmetic3A_247 = arith.constant 10 : i32
    %shift_right_arithmetic3A_248 = vector.broadcast %shift_right_arithmetic3A_247 : i32 to vector<1024x1xi32>
    %shift_right_arithmetic3A_249 = arith.shrsi %broadcast_in_dim3A_246, %shift_right_arithmetic3A_248 : vector<1024x1xi32>
    %and3A_250 = arith.constant 255 : i32
    %and3A_251 = vector.broadcast %and3A_250 : i32 to vector<1024x1xi32>
    %and3A_252 = arith.andi %shift_right_arithmetic3A_249, %and3A_251 : vector<1024x1xi32>
    %swap3A_253 = arith.constant 0 : index
    %swap3A_254 = arith.constant 8 : index
    %swap3A_255 = vector.load %arg11[%swap3A_253, %swap3A_254] : memref<1024x20xi32, #tpu.memory_space<vmem>>, vector<1024x1xi32>
    tpu.vector_store %arg11[%swap3A_253, %swap3A_254], %and3A_252 {strides = array<i32>} : memref<1024x20xi32, #tpu.memory_space<vmem>>, vector<1024x1xi32>,
    %and3A_256 = arith.constant 1023 : i32
    %and3A_257 = vector.broadcast %and3A_256 : i32 to vector<1024x1xi32>
    %and3A_258 = arith.andi %broadcast_in_dim3A_246, %and3A_257 : vector<1024x1xi32>
    %convert_element_type3A_259 = arith.trunci %and3A_258 : vector<1024x1xi32> to vector<1024x1xi16>
    %eq3A_260 = vector.broadcast %convert_element_type3A_259 : vector<1024x1xi16> to vector<1024x1024xi16>
    %eq3A_261 = arith.cmpi eq, %convert_element_type3A_15, %eq3A_260 : vector<1024x1024xi16>
    %jit3A_262 = arith.constant 1 : i16
    %jit3A_263 = arith.constant 0 : i16
    %broadcast_in_dim3A_264 = vector.broadcast %jit3A_262 : i16 to vector<1024x1024xi16>
    %broadcast_in_dim3A_265 = vector.broadcast %jit3A_263 : i16 to vector<1024x1024xi16>
    %select_n3A_266 = arith.select %eq3A_261, %broadcast_in_dim3A_264, %broadcast_in_dim3A_265 : vector<1024x1024xi1>, vector<1024x1024xi16>
    %add3A_267 = arith.addi %add3A_238, %select_n3A_266 : vector<1024x1024xi16>
    %eq3A_268 = vector.broadcast %broadcast_in_dim3A_246 : vector<1024x1xi32> to vector<1024x200xi32>
    %eq3A_269 = arith.cmpi eq, %select_n3A_243, %eq3A_268 : vector<1024x200xi32>
    %jit3A_270 = arith.constant 2147483647 : i32
    %broadcast_in_dim3A_271 = vector.broadcast %jit3A_270 : i32 to vector<1024x200xi32>
    %select_n3A_272 = arith.select %eq3A_269, %broadcast_in_dim3A_271, %select_n3A_243 : vector<1024x200xi1>, vector<1024x200xi32>
    %reduce_min3A_273 = arith.constant dense<2147483647> : vector<1024xi32>
    %reduce_min3A_274 = vector.multi_reduction <minsi>, %select_n3A_272, %reduce_min3A_273 [1] : vector<1024x200xi32> to vector<1024xi32>
    %broadcast_in_dim3A_275 = vector.shape_cast %reduce_min3A_274 : vector<1024xi32> to vector<1024x1xi32>
    %shift_right_arithmetic3A_276 = arith.constant 10 : i32
    %shift_right_arithmetic3A_277 = vector.broadcast %shift_right_arithmetic3A_276 : i32 to vector<1024x1xi32>
    %shift_right_arithmetic3A_278 = arith.shrsi %broadcast_in_dim3A_275, %shift_right_arithmetic3A_277 : vector<1024x1xi32>
    %and3A_279 = arith.constant 255 : i32
    %and3A_280 = vector.broadcast %and3A_279 : i32 to vector<1024x1xi32>
    %and3A_281 = arith.andi %shift_right_arithmetic3A_278, %and3A_280 : vector<1024x1xi32>
    %swap3A_282 = arith.constant 0 : index
    %swap3A_283 = arith.constant 9 : index
    %swap3A_284 = vector.load %arg11[%swap3A_282, %swap3A_283] : memref<1024x20xi32, #tpu.memory_space<vmem>>, vector<1024x1xi32>
    tpu.vector_store %arg11[%swap3A_282, %swap3A_283], %and3A_281 {strides = array<i32>} : memref<1024x20xi32, #tpu.memory_space<vmem>>, vector<1024x1xi32>,
    %and3A_285 = arith.constant 1023 : i32
    %and3A_286 = vector.broadcast %and3A_285 : i32 to vector<1024x1xi32>
    %and3A_287 = arith.andi %broadcast_in_dim3A_275, %and3A_286 : vector<1024x1xi32>
    %convert_element_type3A_288 = arith.trunci %and3A_287 : vector<1024x1xi32> to vector<1024x1xi16>
    %eq3A_289 = vector.broadcast %convert_element_type3A_288 : vector<1024x1xi16> to vector<1024x1024xi16>
    %eq3A_290 = arith.cmpi eq, %convert_element_type3A_15, %eq3A_289 : vector<1024x1024xi16>
    %jit3A_291 = arith.constant 1 : i16
    %jit3A_292 = arith.constant 0 : i16
    %broadcast_in_dim3A_293 = vector.broadcast %jit3A_291 : i16 to vector<1024x1024xi16>
    %broadcast_in_dim3A_294 = vector.broadcast %jit3A_292 : i16 to vector<1024x1024xi16>
    %select_n3A_295 = arith.select %eq3A_290, %broadcast_in_dim3A_293, %broadcast_in_dim3A_294 : vector<1024x1024xi1>, vector<1024x1024xi16>
    %add3A_296 = arith.addi %add3A_267, %select_n3A_295 : vector<1024x1024xi16>
    %eq3A_297 = vector.broadcast %broadcast_in_dim3A_275 : vector<1024x1xi32> to vector<1024x200xi32>
    %eq3A_298 = arith.cmpi eq, %select_n3A_272, %eq3A_297 : vector<1024x200xi32>
    %jit3A_299 = arith.constant 2147483647 : i32
    %broadcast_in_dim3A_300 = vector.broadcast %jit3A_299 : i32 to vector<1024x200xi32>
    %select_n3A_301 = arith.select %eq3A_298, %broadcast_in_dim3A_300, %select_n3A_272 : vector<1024x200xi1>, vector<1024x200xi32>
    %reduce_min3A_302 = arith.constant dense<2147483647> : vector<1024xi32>
    %reduce_min3A_303 = vector.multi_reduction <minsi>, %select_n3A_301, %reduce_min3A_302 [1] : vector<1024x200xi32> to vector<1024xi32>
    %broadcast_in_dim3A_304 = vector.shape_cast %reduce_min3A_303 : vector<1024xi32> to vector<1024x1xi32>
    %shift_right_arithmetic3A_305 = arith.constant 10 : i32
    %shift_right_arithmetic3A_306 = vector.broadcast %shift_right_arithmetic3A_305 : i32 to vector<1024x1xi32>
    %shift_right_arithmetic3A_307 = arith.shrsi %broadcast_in_dim3A_304, %shift_right_arithmetic3A_306 : vector<1024x1xi32>
    %and3A_308 = arith.constant 255 : i32
    %and3A_309 = vector.broadcast %and3A_308 : i32 to vector<1024x1xi32>
    %and3A_310 = arith.andi %shift_right_arithmetic3A_307, %and3A_309 : vector<1024x1xi32>
    %swap3A_311 = arith.constant 0 : index
    %swap3A_312 = arith.constant 10 : index
    %swap3A_313 = vector.load %arg11[%swap3A_311, %swap3A_312] : memref<1024x20xi32, #tpu.memory_space<vmem>>, vector<1024x1xi32>
    tpu.vector_store %arg11[%swap3A_311, %swap3A_312], %and3A_310 {strides = array<i32>} : memref<1024x20xi32, #tpu.memory_space<vmem>>, vector<1024x1xi32>,
    %and3A_314 = arith.constant 1023 : i32
    %and3A_315 = vector.broadcast %and3A_314 : i32 to vector<1024x1xi32>
    %and3A_316 = arith.andi %broadcast_in_dim3A_304, %and3A_315 : vector<1024x1xi32>
    %convert_element_type3A_317 = arith.trunci %and3A_316 : vector<1024x1xi32> to vector<1024x1xi16>
    %eq3A_318 = vector.broadcast %convert_element_type3A_317 : vector<1024x1xi16> to vector<1024x1024xi16>
    %eq3A_319 = arith.cmpi eq, %convert_element_type3A_15, %eq3A_318 : vector<1024x1024xi16>
    %jit3A_320 = arith.constant 1 : i16
    %jit3A_321 = arith.constant 0 : i16
    %broadcast_in_dim3A_322 = vector.broadcast %jit3A_320 : i16 to vector<1024x1024xi16>
    %broadcast_in_dim3A_323 = vector.broadcast %jit3A_321 : i16 to vector<1024x1024xi16>
    %select_n3A_324 = arith.select %eq3A_319, %broadcast_in_dim3A_322, %broadcast_in_dim3A_323 : vector<1024x1024xi1>, vector<1024x1024xi16>
    %add3A_325 = arith.addi %add3A_296, %select_n3A_324 : vector<1024x1024xi16>
    %eq3A_326 = vector.broadcast %broadcast_in_dim3A_304 : vector<1024x1xi32> to vector<1024x200xi32>
    %eq3A_327 = arith.cmpi eq, %select_n3A_301, %eq3A_326 : vector<1024x200xi32>
    %jit3A_328 = arith.constant 2147483647 : i32
    %broadcast_in_dim3A_329 = vector.broadcast %jit3A_328 : i32 to vector<1024x200xi32>
    %select_n3A_330 = arith.select %eq3A_327, %broadcast_in_dim3A_329, %select_n3A_301 : vector<1024x200xi1>, vector<1024x200xi32>
    %reduce_min3A_331 = arith.constant dense<2147483647> : vector<1024xi32>
    %reduce_min3A_332 = vector.multi_reduction <minsi>, %select_n3A_330, %reduce_min3A_331 [1] : vector<1024x200xi32> to vector<1024xi32>
    %broadcast_in_dim3A_333 = vector.shape_cast %reduce_min3A_332 : vector<1024xi32> to vector<1024x1xi32>
    %shift_right_arithmetic3A_334 = arith.constant 10 : i32
    %shift_right_arithmetic3A_335 = vector.broadcast %shift_right_arithmetic3A_334 : i32 to vector<1024x1xi32>
    %shift_right_arithmetic3A_336 = arith.shrsi %broadcast_in_dim3A_333, %shift_right_arithmetic3A_335 : vector<1024x1xi32>
    %and3A_337 = arith.constant 255 : i32
    %and3A_338 = vector.broadcast %and3A_337 : i32 to vector<1024x1xi32>
    %and3A_339 = arith.andi %shift_right_arithmetic3A_336, %and3A_338 : vector<1024x1xi32>
    %swap3A_340 = arith.constant 0 : index
    %swap3A_341 = arith.constant 11 : index
    %swap3A_342 = vector.load %arg11[%swap3A_340, %swap3A_341] : memref<1024x20xi32, #tpu.memory_space<vmem>>, vector<1024x1xi32>
    tpu.vector_store %arg11[%swap3A_340, %swap3A_341], %and3A_339 {strides = array<i32>} : memref<1024x20xi32, #tpu.memory_space<vmem>>, vector<1024x1xi32>,
    %and3A_343 = arith.constant 1023 : i32
    %and3A_344 = vector.broadcast %and3A_343 : i32 to vector<1024x1xi32>
    %and3A_345 = arith.andi %broadcast_in_dim3A_333, %and3A_344 : vector<1024x1xi32>
    %convert_element_type3A_346 = arith.trunci %and3A_345 : vector<1024x1xi32> to vector<1024x1xi16>
    %eq3A_347 = vector.broadcast %convert_element_type3A_346 : vector<1024x1xi16> to vector<1024x1024xi16>
    %eq3A_348 = arith.cmpi eq, %convert_element_type3A_15, %eq3A_347 : vector<1024x1024xi16>
    %jit3A_349 = arith.constant 1 : i16
    %jit3A_350 = arith.constant 0 : i16
    %broadcast_in_dim3A_351 = vector.broadcast %jit3A_349 : i16 to vector<1024x1024xi16>
    %broadcast_in_dim3A_352 = vector.broadcast %jit3A_350 : i16 to vector<1024x1024xi16>
    %select_n3A_353 = arith.select %eq3A_348, %broadcast_in_dim3A_351, %broadcast_in_dim3A_352 : vector<1024x1024xi1>, vector<1024x1024xi16>
    %add3A_354 = arith.addi %add3A_325, %select_n3A_353 : vector<1024x1024xi16>
    %eq3A_355 = vector.broadcast %broadcast_in_dim3A_333 : vector<1024x1xi32> to vector<1024x200xi32>
    %eq3A_356 = arith.cmpi eq, %select_n3A_330, %eq3A_355 : vector<1024x200xi32>
    %jit3A_357 = arith.constant 2147483647 : i32
    %broadcast_in_dim3A_358 = vector.broadcast %jit3A_357 : i32 to vector<1024x200xi32>
    %select_n3A_359 = arith.select %eq3A_356, %broadcast_in_dim3A_358, %select_n3A_330 : vector<1024x200xi1>, vector<1024x200xi32>
    %reduce_min3A_360 = arith.constant dense<2147483647> : vector<1024xi32>
    %reduce_min3A_361 = vector.multi_reduction <minsi>, %select_n3A_359, %reduce_min3A_360 [1] : vector<1024x200xi32> to vector<1024xi32>
    %broadcast_in_dim3A_362 = vector.shape_cast %reduce_min3A_361 : vector<1024xi32> to vector<1024x1xi32>
    %shift_right_arithmetic3A_363 = arith.constant 10 : i32
    %shift_right_arithmetic3A_364 = vector.broadcast %shift_right_arithmetic3A_363 : i32 to vector<1024x1xi32>
    %shift_right_arithmetic3A_365 = arith.shrsi %broadcast_in_dim3A_362, %shift_right_arithmetic3A_364 : vector<1024x1xi32>
    %and3A_366 = arith.constant 255 : i32
    %and3A_367 = vector.broadcast %and3A_366 : i32 to vector<1024x1xi32>
    %and3A_368 = arith.andi %shift_right_arithmetic3A_365, %and3A_367 : vector<1024x1xi32>
    %swap3A_369 = arith.constant 0 : index
    %swap3A_370 = arith.constant 12 : index
    %swap3A_371 = vector.load %arg11[%swap3A_369, %swap3A_370] : memref<1024x20xi32, #tpu.memory_space<vmem>>, vector<1024x1xi32>
    tpu.vector_store %arg11[%swap3A_369, %swap3A_370], %and3A_368 {strides = array<i32>} : memref<1024x20xi32, #tpu.memory_space<vmem>>, vector<1024x1xi32>,
    %and3A_372 = arith.constant 1023 : i32
    %and3A_373 = vector.broadcast %and3A_372 : i32 to vector<1024x1xi32>
    %and3A_374 = arith.andi %broadcast_in_dim3A_362, %and3A_373 : vector<1024x1xi32>
    %convert_element_type3A_375 = arith.trunci %and3A_374 : vector<1024x1xi32> to vector<1024x1xi16>
    %eq3A_376 = vector.broadcast %convert_element_type3A_375 : vector<1024x1xi16> to vector<1024x1024xi16>
    %eq3A_377 = arith.cmpi eq, %convert_element_type3A_15, %eq3A_376 : vector<1024x1024xi16>
    %jit3A_378 = arith.constant 1 : i16
    %jit3A_379 = arith.constant 0 : i16
    %broadcast_in_dim3A_380 = vector.broadcast %jit3A_378 : i16 to vector<1024x1024xi16>
    %broadcast_in_dim3A_381 = vector.broadcast %jit3A_379 : i16 to vector<1024x1024xi16>
    %select_n3A_382 = arith.select %eq3A_377, %broadcast_in_dim3A_380, %broadcast_in_dim3A_381 : vector<1024x1024xi1>, vector<1024x1024xi16>
    %add3A_383 = arith.addi %add3A_354, %select_n3A_382 : vector<1024x1024xi16>
    %eq3A_384 = vector.broadcast %broadcast_in_dim3A_362 : vector<1024x1xi32> to vector<1024x200xi32>
    %eq3A_385 = arith.cmpi eq, %select_n3A_359, %eq3A_384 : vector<1024x200xi32>
    %jit3A_386 = arith.constant 2147483647 : i32
    %broadcast_in_dim3A_387 = vector.broadcast %jit3A_386 : i32 to vector<1024x200xi32>
    %select_n3A_388 = arith.select %eq3A_385, %broadcast_in_dim3A_387, %select_n3A_359 : vector<1024x200xi1>, vector<1024x200xi32>
    %reduce_min3A_389 = arith.constant dense<2147483647> : vector<1024xi32>
    %reduce_min3A_390 = vector.multi_reduction <minsi>, %select_n3A_388, %reduce_min3A_389 [1] : vector<1024x200xi32> to vector<1024xi32>
    %broadcast_in_dim3A_391 = vector.shape_cast %reduce_min3A_390 : vector<1024xi32> to vector<1024x1xi32>
    %shift_right_arithmetic3A_392 = arith.constant 10 : i32
    %shift_right_arithmetic3A_393 = vector.broadcast %shift_right_arithmetic3A_392 : i32 to vector<1024x1xi32>
    %shift_right_arithmetic3A_394 = arith.shrsi %broadcast_in_dim3A_391, %shift_right_arithmetic3A_393 : vector<1024x1xi32>
    %and3A_395 = arith.constant 255 : i32
    %and3A_396 = vector.broadcast %and3A_395 : i32 to vector<1024x1xi32>
    %and3A_397 = arith.andi %shift_right_arithmetic3A_394, %and3A_396 : vector<1024x1xi32>
    %swap3A_398 = arith.constant 0 : index
    %swap3A_399 = arith.constant 13 : index
    %swap3A_400 = vector.load %arg11[%swap3A_398, %swap3A_399] : memref<1024x20xi32, #tpu.memory_space<vmem>>, vector<1024x1xi32>
    tpu.vector_store %arg11[%swap3A_398, %swap3A_399], %and3A_397 {strides = array<i32>} : memref<1024x20xi32, #tpu.memory_space<vmem>>, vector<1024x1xi32>,
    %and3A_401 = arith.constant 1023 : i32
    %and3A_402 = vector.broadcast %and3A_401 : i32 to vector<1024x1xi32>
    %and3A_403 = arith.andi %broadcast_in_dim3A_391, %and3A_402 : vector<1024x1xi32>
    %convert_element_type3A_404 = arith.trunci %and3A_403 : vector<1024x1xi32> to vector<1024x1xi16>
    %eq3A_405 = vector.broadcast %convert_element_type3A_404 : vector<1024x1xi16> to vector<1024x1024xi16>
    %eq3A_406 = arith.cmpi eq, %convert_element_type3A_15, %eq3A_405 : vector<1024x1024xi16>
    %jit3A_407 = arith.constant 1 : i16
    %jit3A_408 = arith.constant 0 : i16
    %broadcast_in_dim3A_409 = vector.broadcast %jit3A_407 : i16 to vector<1024x1024xi16>
    %broadcast_in_dim3A_410 = vector.broadcast %jit3A_408 : i16 to vector<1024x1024xi16>
    %select_n3A_411 = arith.select %eq3A_406, %broadcast_in_dim3A_409, %broadcast_in_dim3A_410 : vector<1024x1024xi1>, vector<1024x1024xi16>
    %add3A_412 = arith.addi %add3A_383, %select_n3A_411 : vector<1024x1024xi16>
    %eq3A_413 = vector.broadcast %broadcast_in_dim3A_391 : vector<1024x1xi32> to vector<1024x200xi32>
    %eq3A_414 = arith.cmpi eq, %select_n3A_388, %eq3A_413 : vector<1024x200xi32>
    %jit3A_415 = arith.constant 2147483647 : i32
    %broadcast_in_dim3A_416 = vector.broadcast %jit3A_415 : i32 to vector<1024x200xi32>
    %select_n3A_417 = arith.select %eq3A_414, %broadcast_in_dim3A_416, %select_n3A_388 : vector<1024x200xi1>, vector<1024x200xi32>
    %reduce_min3A_418 = arith.constant dense<2147483647> : vector<1024xi32>
    %reduce_min3A_419 = vector.multi_reduction <minsi>, %select_n3A_417, %reduce_min3A_418 [1] : vector<1024x200xi32> to vector<1024xi32>
    %broadcast_in_dim3A_420 = vector.shape_cast %reduce_min3A_419 : vector<1024xi32> to vector<1024x1xi32>
    %shift_right_arithmetic3A_421 = arith.constant 10 : i32
    %shift_right_arithmetic3A_422 = vector.broadcast %shift_right_arithmetic3A_421 : i32 to vector<1024x1xi32>
    %shift_right_arithmetic3A_423 = arith.shrsi %broadcast_in_dim3A_420, %shift_right_arithmetic3A_422 : vector<1024x1xi32>
    %and3A_424 = arith.constant 255 : i32
    %and3A_425 = vector.broadcast %and3A_424 : i32 to vector<1024x1xi32>
    %and3A_426 = arith.andi %shift_right_arithmetic3A_423, %and3A_425 : vector<1024x1xi32>
    %swap3A_427 = arith.constant 0 : index
    %swap3A_428 = arith.constant 14 : index
    %swap3A_429 = vector.load %arg11[%swap3A_427, %swap3A_428] : memref<1024x20xi32, #tpu.memory_space<vmem>>, vector<1024x1xi32>
    tpu.vector_store %arg11[%swap3A_427, %swap3A_428], %and3A_426 {strides = array<i32>} : memref<1024x20xi32, #tpu.memory_space<vmem>>, vector<1024x1xi32>,
    %and3A_430 = arith.constant 1023 : i32
    %and3A_431 = vector.broadcast %and3A_430 : i32 to vector<1024x1xi32>
    %and3A_432 = arith.andi %broadcast_in_dim3A_420, %and3A_431 : vector<1024x1xi32>
    %convert_element_type3A_433 = arith.trunci %and3A_432 : vector<1024x1xi32> to vector<1024x1xi16>
    %eq3A_434 = vector.broadcast %convert_element_type3A_433 : vector<1024x1xi16> to vector<1024x1024xi16>
    %eq3A_435 = arith.cmpi eq, %convert_element_type3A_15, %eq3A_434 : vector<1024x1024xi16>
    %jit3A_436 = arith.constant 1 : i16
    %jit3A_437 = arith.constant 0 : i16
    %broadcast_in_dim3A_438 = vector.broadcast %jit3A_436 : i16 to vector<1024x1024xi16>
    %broadcast_in_dim3A_439 = vector.broadcast %jit3A_437 : i16 to vector<1024x1024xi16>
    %select_n3A_440 = arith.select %eq3A_435, %broadcast_in_dim3A_438, %broadcast_in_dim3A_439 : vector<1024x1024xi1>, vector<1024x1024xi16>
    %add3A_441 = arith.addi %add3A_412, %select_n3A_440 : vector<1024x1024xi16>
    %eq3A_442 = vector.broadcast %broadcast_in_dim3A_420 : vector<1024x1xi32> to vector<1024x200xi32>
    %eq3A_443 = arith.cmpi eq, %select_n3A_417, %eq3A_442 : vector<1024x200xi32>
    %jit3A_444 = arith.constant 2147483647 : i32
    %broadcast_in_dim3A_445 = vector.broadcast %jit3A_444 : i32 to vector<1024x200xi32>
    %select_n3A_446 = arith.select %eq3A_443, %broadcast_in_dim3A_445, %select_n3A_417 : vector<1024x200xi1>, vector<1024x200xi32>
    %reduce_min3A_447 = arith.constant dense<2147483647> : vector<1024xi32>
    %reduce_min3A_448 = vector.multi_reduction <minsi>, %select_n3A_446, %reduce_min3A_447 [1] : vector<1024x200xi32> to vector<1024xi32>
    %broadcast_in_dim3A_449 = vector.shape_cast %reduce_min3A_448 : vector<1024xi32> to vector<1024x1xi32>
    %shift_right_arithmetic3A_450 = arith.constant 10 : i32
    %shift_right_arithmetic3A_451 = vector.broadcast %shift_right_arithmetic3A_450 : i32 to vector<1024x1xi32>
    %shift_right_arithmetic3A_452 = arith.shrsi %broadcast_in_dim3A_449, %shift_right_arithmetic3A_451 : vector<1024x1xi32>
    %and3A_453 = arith.constant 255 : i32
    %and3A_454 = vector.broadcast %and3A_453 : i32 to vector<1024x1xi32>
    %and3A_455 = arith.andi %shift_right_arithmetic3A_452, %and3A_454 : vector<1024x1xi32>
    %swap3A_456 = arith.constant 0 : index
    %swap3A_457 = arith.constant 15 : index
    %swap3A_458 = vector.load %arg11[%swap3A_456, %swap3A_457] : memref<1024x20xi32, #tpu.memory_space<vmem>>, vector<1024x1xi32>
    tpu.vector_store %arg11[%swap3A_456, %swap3A_457], %and3A_455 {strides = array<i32>} : memref<1024x20xi32, #tpu.memory_space<vmem>>, vector<1024x1xi32>,
    %and3A_459 = arith.constant 1023 : i32
    %and3A_460 = vector.broadcast %and3A_459 : i32 to vector<1024x1xi32>
    %and3A_461 = arith.andi %broadcast_in_dim3A_449, %and3A_460 : vector<1024x1xi32>
    %convert_element_type3A_462 = arith.trunci %and3A_461 : vector<1024x1xi32> to vector<1024x1xi16>
    %eq3A_463 = vector.broadcast %convert_element_type3A_462 : vector<1024x1xi16> to vector<1024x1024xi16>
    %eq3A_464 = arith.cmpi eq, %convert_element_type3A_15, %eq3A_463 : vector<1024x1024xi16>
    %jit3A_465 = arith.constant 1 : i16
    %jit3A_466 = arith.constant 0 : i16
    %broadcast_in_dim3A_467 = vector.broadcast %jit3A_465 : i16 to vector<1024x1024xi16>
    %broadcast_in_dim3A_468 = vector.broadcast %jit3A_466 : i16 to vector<1024x1024xi16>
    %select_n3A_469 = arith.select %eq3A_464, %broadcast_in_dim3A_467, %broadcast_in_dim3A_468 : vector<1024x1024xi1>, vector<1024x1024xi16>
    %add3A_470 = arith.addi %add3A_441, %select_n3A_469 : vector<1024x1024xi16>
    %eq3A_471 = vector.broadcast %broadcast_in_dim3A_449 : vector<1024x1xi32> to vector<1024x200xi32>
    %eq3A_472 = arith.cmpi eq, %select_n3A_446, %eq3A_471 : vector<1024x200xi32>
    %jit3A_473 = arith.constant 2147483647 : i32
    %broadcast_in_dim3A_474 = vector.broadcast %jit3A_473 : i32 to vector<1024x200xi32>
    %select_n3A_475 = arith.select %eq3A_472, %broadcast_in_dim3A_474, %select_n3A_446 : vector<1024x200xi1>, vector<1024x200xi32>
    %reduce_min3A_476 = arith.constant dense<2147483647> : vector<1024xi32>
    %reduce_min3A_477 = vector.multi_reduction <minsi>, %select_n3A_475, %reduce_min3A_476 [1] : vector<1024x200xi32> to vector<1024xi32>
    %broadcast_in_dim3A_478 = vector.shape_cast %reduce_min3A_477 : vector<1024xi32> to vector<1024x1xi32>
    %shift_right_arithmetic3A_479 = arith.constant 10 : i32
    %shift_right_arithmetic3A_480 = vector.broadcast %shift_right_arithmetic3A_479 : i32 to vector<1024x1xi32>
    %shift_right_arithmetic3A_481 = arith.shrsi %broadcast_in_dim3A_478, %shift_right_arithmetic3A_480 : vector<1024x1xi32>
    %and3A_482 = arith.constant 255 : i32
    %and3A_483 = vector.broadcast %and3A_482 : i32 to vector<1024x1xi32>
    %and3A_484 = arith.andi %shift_right_arithmetic3A_481, %and3A_483 : vector<1024x1xi32>
    %swap3A_485 = arith.constant 0 : index
    %swap3A_486 = arith.constant 16 : index
    %swap3A_487 = vector.load %arg11[%swap3A_485, %swap3A_486] : memref<1024x20xi32, #tpu.memory_space<vmem>>, vector<1024x1xi32>
    tpu.vector_store %arg11[%swap3A_485, %swap3A_486], %and3A_484 {strides = array<i32>} : memref<1024x20xi32, #tpu.memory_space<vmem>>, vector<1024x1xi32>,
    %and3A_488 = arith.constant 1023 : i32
    %and3A_489 = vector.broadcast %and3A_488 : i32 to vector<1024x1xi32>
    %and3A_490 = arith.andi %broadcast_in_dim3A_478, %and3A_489 : vector<1024x1xi32>
    %convert_element_type3A_491 = arith.trunci %and3A_490 : vector<1024x1xi32> to vector<1024x1xi16>
    %eq3A_492 = vector.broadcast %convert_element_type3A_491 : vector<1024x1xi16> to vector<1024x1024xi16>
    %eq3A_493 = arith.cmpi eq, %convert_element_type3A_15, %eq3A_492 : vector<1024x1024xi16>
    %jit3A_494 = arith.constant 1 : i16
    %jit3A_495 = arith.constant 0 : i16
    %broadcast_in_dim3A_496 = vector.broadcast %jit3A_494 : i16 to vector<1024x1024xi16>
    %broadcast_in_dim3A_497 = vector.broadcast %jit3A_495 : i16 to vector<1024x1024xi16>
    %select_n3A_498 = arith.select %eq3A_493, %broadcast_in_dim3A_496, %broadcast_in_dim3A_497 : vector<1024x1024xi1>, vector<1024x1024xi16>
    %add3A_499 = arith.addi %add3A_470, %select_n3A_498 : vector<1024x1024xi16>
    %eq3A_500 = vector.broadcast %broadcast_in_dim3A_478 : vector<1024x1xi32> to vector<1024x200xi32>
    %eq3A_501 = arith.cmpi eq, %select_n3A_475, %eq3A_500 : vector<1024x200xi32>
    %jit3A_502 = arith.constant 2147483647 : i32
    %broadcast_in_dim3A_503 = vector.broadcast %jit3A_502 : i32 to vector<1024x200xi32>
    %select_n3A_504 = arith.select %eq3A_501, %broadcast_in_dim3A_503, %select_n3A_475 : vector<1024x200xi1>, vector<1024x200xi32>
    %reduce_min3A_505 = arith.constant dense<2147483647> : vector<1024xi32>
    %reduce_min3A_506 = vector.multi_reduction <minsi>, %select_n3A_504, %reduce_min3A_505 [1] : vector<1024x200xi32> to vector<1024xi32>
    %broadcast_in_dim3A_507 = vector.shape_cast %reduce_min3A_506 : vector<1024xi32> to vector<1024x1xi32>
    %shift_right_arithmetic3A_508 = arith.constant 10 : i32
    %shift_right_arithmetic3A_509 = vector.broadcast %shift_right_arithmetic3A_508 : i32 to vector<1024x1xi32>
    %shift_right_arithmetic3A_510 = arith.shrsi %broadcast_in_dim3A_507, %shift_right_arithmetic3A_509 : vector<1024x1xi32>
    %and3A_511 = arith.constant 255 : i32
    %and3A_512 = vector.broadcast %and3A_511 : i32 to vector<1024x1xi32>
    %and3A_513 = arith.andi %shift_right_arithmetic3A_510, %and3A_512 : vector<1024x1xi32>
    %swap3A_514 = arith.constant 0 : index
    %swap3A_515 = arith.constant 17 : index
    %swap3A_516 = vector.load %arg11[%swap3A_514, %swap3A_515] : memref<1024x20xi32, #tpu.memory_space<vmem>>, vector<1024x1xi32>
    tpu.vector_store %arg11[%swap3A_514, %swap3A_515], %and3A_513 {strides = array<i32>} : memref<1024x20xi32, #tpu.memory_space<vmem>>, vector<1024x1xi32>,
    %and3A_517 = arith.constant 1023 : i32
    %and3A_518 = vector.broadcast %and3A_517 : i32 to vector<1024x1xi32>
    %and3A_519 = arith.andi %broadcast_in_dim3A_507, %and3A_518 : vector<1024x1xi32>
    %convert_element_type3A_520 = arith.trunci %and3A_519 : vector<1024x1xi32> to vector<1024x1xi16>
    %eq3A_521 = vector.broadcast %convert_element_type3A_520 : vector<1024x1xi16> to vector<1024x1024xi16>
    %eq3A_522 = arith.cmpi eq, %convert_element_type3A_15, %eq3A_521 : vector<1024x1024xi16>
    %jit3A_523 = arith.constant 1 : i16
    %jit3A_524 = arith.constant 0 : i16
    %broadcast_in_dim3A_525 = vector.broadcast %jit3A_523 : i16 to vector<1024x1024xi16>
    %broadcast_in_dim3A_526 = vector.broadcast %jit3A_524 : i16 to vector<1024x1024xi16>
    %select_n3A_527 = arith.select %eq3A_522, %broadcast_in_dim3A_525, %broadcast_in_dim3A_526 : vector<1024x1024xi1>, vector<1024x1024xi16>
    %add3A_528 = arith.addi %add3A_499, %select_n3A_527 : vector<1024x1024xi16>
    %eq3A_529 = vector.broadcast %broadcast_in_dim3A_507 : vector<1024x1xi32> to vector<1024x200xi32>
    %eq3A_530 = arith.cmpi eq, %select_n3A_504, %eq3A_529 : vector<1024x200xi32>
    %jit3A_531 = arith.constant 2147483647 : i32
    %broadcast_in_dim3A_532 = vector.broadcast %jit3A_531 : i32 to vector<1024x200xi32>
    %select_n3A_533 = arith.select %eq3A_530, %broadcast_in_dim3A_532, %select_n3A_504 : vector<1024x200xi1>, vector<1024x200xi32>
    %reduce_min3A_534 = arith.constant dense<2147483647> : vector<1024xi32>
    %reduce_min3A_535 = vector.multi_reduction <minsi>, %select_n3A_533, %reduce_min3A_534 [1] : vector<1024x200xi32> to vector<1024xi32>
    %broadcast_in_dim3A_536 = vector.shape_cast %reduce_min3A_535 : vector<1024xi32> to vector<1024x1xi32>
    %shift_right_arithmetic3A_537 = arith.constant 10 : i32
    %shift_right_arithmetic3A_538 = vector.broadcast %shift_right_arithmetic3A_537 : i32 to vector<1024x1xi32>
    %shift_right_arithmetic3A_539 = arith.shrsi %broadcast_in_dim3A_536, %shift_right_arithmetic3A_538 : vector<1024x1xi32>
    %and3A_540 = arith.constant 255 : i32
    %and3A_541 = vector.broadcast %and3A_540 : i32 to vector<1024x1xi32>
    %and3A_542 = arith.andi %shift_right_arithmetic3A_539, %and3A_541 : vector<1024x1xi32>
    %swap3A_543 = arith.constant 0 : index
    %swap3A_544 = arith.constant 18 : index
    %swap3A_545 = vector.load %arg11[%swap3A_543, %swap3A_544] : memref<1024x20xi32, #tpu.memory_space<vmem>>, vector<1024x1xi32>
    tpu.vector_store %arg11[%swap3A_543, %swap3A_544], %and3A_542 {strides = array<i32>} : memref<1024x20xi32, #tpu.memory_space<vmem>>, vector<1024x1xi32>,
    %and3A_546 = arith.constant 1023 : i32
    %and3A_547 = vector.broadcast %and3A_546 : i32 to vector<1024x1xi32>
    %and3A_548 = arith.andi %broadcast_in_dim3A_536, %and3A_547 : vector<1024x1xi32>
    %convert_element_type3A_549 = arith.trunci %and3A_548 : vector<1024x1xi32> to vector<1024x1xi16>
    %eq3A_550 = vector.broadcast %convert_element_type3A_549 : vector<1024x1xi16> to vector<1024x1024xi16>
    %eq3A_551 = arith.cmpi eq, %convert_element_type3A_15, %eq3A_550 : vector<1024x1024xi16>
    %jit3A_552 = arith.constant 1 : i16
    %jit3A_553 = arith.constant 0 : i16
    %broadcast_in_dim3A_554 = vector.broadcast %jit3A_552 : i16 to vector<1024x1024xi16>
    %broadcast_in_dim3A_555 = vector.broadcast %jit3A_553 : i16 to vector<1024x1024xi16>
    %select_n3A_556 = arith.select %eq3A_551, %broadcast_in_dim3A_554, %broadcast_in_dim3A_555 : vector<1024x1024xi1>, vector<1024x1024xi16>
    %add3A_557 = arith.addi %add3A_528, %select_n3A_556 : vector<1024x1024xi16>
    %eq3A_558 = vector.broadcast %broadcast_in_dim3A_536 : vector<1024x1xi32> to vector<1024x200xi32>
    %eq3A_559 = arith.cmpi eq, %select_n3A_533, %eq3A_558 : vector<1024x200xi32>
    %jit3A_560 = arith.constant 2147483647 : i32
    %broadcast_in_dim3A_561 = vector.broadcast %jit3A_560 : i32 to vector<1024x200xi32>
    %select_n3A_562 = arith.select %eq3A_559, %broadcast_in_dim3A_561, %select_n3A_533 : vector<1024x200xi1>, vector<1024x200xi32>
    %reduce_min3A_563 = arith.constant dense<2147483647> : vector<1024xi32>
    %reduce_min3A_564 = vector.multi_reduction <minsi>, %select_n3A_562, %reduce_min3A_563 [1] : vector<1024x200xi32> to vector<1024xi32>
    %broadcast_in_dim3A_565 = vector.shape_cast %reduce_min3A_564 : vector<1024xi32> to vector<1024x1xi32>
    %shift_right_arithmetic3A_566 = arith.constant 10 : i32
    %shift_right_arithmetic3A_567 = vector.broadcast %shift_right_arithmetic3A_566 : i32 to vector<1024x1xi32>
    %shift_right_arithmetic3A_568 = arith.shrsi %broadcast_in_dim3A_565, %shift_right_arithmetic3A_567 : vector<1024x1xi32>
    %and3A_569 = arith.constant 255 : i32
    %and3A_570 = vector.broadcast %and3A_569 : i32 to vector<1024x1xi32>
    %and3A_571 = arith.andi %shift_right_arithmetic3A_568, %and3A_570 : vector<1024x1xi32>
    %swap3A_572 = arith.constant 0 : index
    %swap3A_573 = arith.constant 19 : index
    %swap3A_574 = vector.load %arg11[%swap3A_572, %swap3A_573] : memref<1024x20xi32, #tpu.memory_space<vmem>>, vector<1024x1xi32>
    tpu.vector_store %arg11[%swap3A_572, %swap3A_573], %and3A_571 {strides = array<i32>} : memref<1024x20xi32, #tpu.memory_space<vmem>>, vector<1024x1xi32>,
    %and3A_575 = arith.constant 1023 : i32
    %and3A_576 = vector.broadcast %and3A_575 : i32 to vector<1024x1xi32>
    %and3A_577 = arith.andi %broadcast_in_dim3A_565, %and3A_576 : vector<1024x1xi32>
    %convert_element_type3A_578 = arith.trunci %and3A_577 : vector<1024x1xi32> to vector<1024x1xi16>
    %eq3A_579 = vector.broadcast %convert_element_type3A_578 : vector<1024x1xi16> to vector<1024x1024xi16>
    %eq3A_580 = arith.cmpi eq, %convert_element_type3A_15, %eq3A_579 : vector<1024x1024xi16>
    %jit3A_581 = arith.constant 1 : i16
    %jit3A_582 = arith.constant 0 : i16
    %broadcast_in_dim3A_583 = vector.broadcast %jit3A_581 : i16 to vector<1024x1024xi16>
    %broadcast_in_dim3A_584 = vector.broadcast %jit3A_582 : i16 to vector<1024x1024xi16>
    %select_n3A_585 = arith.select %eq3A_580, %broadcast_in_dim3A_583, %broadcast_in_dim3A_584 : vector<1024x1024xi1>, vector<1024x1024xi16>
    %add3A_586 = arith.addi %add3A_557, %select_n3A_585 : vector<1024x1024xi16>
    %convert_element_type3A_587 = arith.sitofp %add3A_586 : vector<1024x1024xi16> to vector<1024x1024xf32>
    %get3A_588 = arith.constant 0 : index
    %get3A_589 = arith.constant 0 : index
    %get3A_590 = vector.load %arg13[%get3A_588, %get3A_589] : memref<1024x128xf32, #tpu.memory_space<vmem>>, vector<1024x128xf32>
    %dot_general3A = arith.constant dense<0.000000e+00> : vector<1024x128xf32>
    %dot_general3A_591 = tpu.matmul %convert_element_type3A_587, %get3A_590, %dot_general3A {dimension_numbers = #tpu.dot_dimension_numbers<[1], [0], [0], [1], [0, 0, 1, 1], [], []>, transpose_lhs_hint = false} : vector<1024x1024xf32>, vector<1024x128xf32>, vector<1024x128xf32> -> vector<1024x128xf32>
    %mul3A = arith.constant 5.000000e-02 : f32
    %mul3A_592 = vector.broadcast %mul3A : f32 to vector<1024x128xf32>
    %mul3A_593 = arith.mulf %dot_general3A_591, %mul3A_592 : vector<1024x128xf32>
    %get3A_594 = arith.constant 0 : index
    %get3A_595 = arith.constant 0 : index
    %get3A_596 = vector.load %arg7[%get3A_594, %get3A_595] : memref<128x64xf32, #tpu.memory_space<vmem>>, vector<128x64xf32>
    %dot_general3A_597 = arith.constant dense<0.000000e+00> : vector<1024x64xf32>
    %dot_general3A_598 = tpu.matmul %mul3A_593, %get3A_596, %dot_general3A_597 {dimension_numbers = #tpu.dot_dimension_numbers<[1], [0], [0], [1], [0, 0, 1, 1], [], []>, transpose_lhs_hint = false} : vector<1024x128xf32>, vector<128x64xf32>, vector<1024x64xf32> -> vector<1024x64xf32>
    %get3A_599 = arith.constant 0 : index
    %get3A_600 = arith.constant 0 : index
    %get3A_601 = vector.load %arg8[%get3A_599, %get3A_600] : memref<1x64xf32, #tpu.memory_space<vmem>>, vector<1x64xf32>
    %add3A_602 = vector.broadcast %get3A_601 : vector<1x64xf32> to vector<1024x64xf32>
    %add3A_603 = arith.addf %dot_general3A_598, %add3A_602 : vector<1024x64xf32>
    %max3A = arith.constant 0.000000e+00 : f32
    %max3A_604 = vector.broadcast %max3A : f32 to vector<1024x64xf32>
    %max3A_605 = arith.maximumf %add3A_603, %max3A_604 : vector<1024x64xf32>
    %get3A_606 = arith.constant 0 : index
    %get3A_607 = arith.constant 0 : index
    %get3A_608 = vector.load %arg9[%get3A_606, %get3A_607] : memref<1x64xf32, #tpu.memory_space<vmem>>, vector<1x64xf32>
    %mul3A_609 = vector.broadcast %get3A_608 : vector<1x64xf32> to vector<1024x64xf32>
    %mul3A_610 = arith.mulf %max3A_605, %mul3A_609 : vector<1024x64xf32>
    %reduce_sum3A = arith.constant dense<0.000000e+00> : vector<1024xf32>
    %reduce_sum3A_611 = vector.multi_reduction <add>, %mul3A_610, %reduce_sum3A [1] : vector<1024x64xf32> to vector<1024xf32>
    %broadcast_in_dim3A_612 = vector.shape_cast %reduce_sum3A_611 : vector<1024xf32> to vector<1024x1xf32>
    %get3A_613 = arith.constant 0 : index
    %get3A_614 = arith.constant 0 : index
    %get3A_615 = vector.load %arg10[%get3A_613, %get3A_614] : memref<1x1xf32, #tpu.memory_space<vmem>>, vector<1x1xf32>
    %add3A_616 = vector.broadcast %get3A_615 : vector<1x1xf32> to vector<1024x1xf32>
    %add3A_617 = arith.addf %broadcast_in_dim3A_612, %add3A_616 : vector<1024x1xf32>
    %logistic3A = arith.negf %add3A_617 : vector<1024x1xf32>
    %logistic3A_618 = math.exp %logistic3A : vector<1024x1xf32>
    %logistic3A_619 = arith.constant 1.000000e+00 : f32
    %logistic3A_620 = vector.broadcast %logistic3A_619 : f32 to vector<1024x1xf32>
    %logistic3A_621 = arith.addf %logistic3A_620, %logistic3A_618 : vector<1024x1xf32>
    %logistic3A_622 = arith.divf %logistic3A_620, %logistic3A_621 : vector<1024x1xf32>
    %swap3A_623 = arith.constant 0 : index
    %swap3A_624 = arith.constant 0 : index
    %swap3A_625 = vector.load %arg12[%swap3A_623, %swap3A_624] : memref<1024x1xf32, #tpu.memory_space<vmem>>, vector<1024x1xf32>
    tpu.vector_store %arg12[%swap3A_623, %swap3A_624], %logistic3A_622 {strides = array<i32>} : memref<1024x1xf32, #tpu.memory_space<vmem>>, vector<1024x1xf32>,
    return
  }
  func.func @transform_0(%arg0: i32) -> (i32, i32) {
    %c0_i32 = arith.constant 0 : i32
    %c0_i32_0 = arith.constant 0 : i32
    return %arg0, %c0_i32 : i32, i32
  }
  func.func @transform_1(%arg0: i32) -> (i32, i32) {
    %c0_i32 = arith.constant 0 : i32
    %c0_i32_0 = arith.constant 0 : i32
    %c0_i32_1 = arith.constant 0 : i32
    return %c0_i32, %c0_i32_0 : i32, i32
  }
  func.func @transform_2(%arg0: i32) -> (i32, i32) {
    %c0_i32 = arith.constant 0 : i32
    %c0_i32_0 = arith.constant 0 : i32
    %c0_i32_1 = arith.constant 0 : i32
    return %c0_i32, %c0_i32_0 : i32, i32
  }
  func.func @transform_3(%arg0: i32) -> (i32, i32) {
    %c0_i32 = arith.constant 0 : i32
    %c0_i32_0 = arith.constant 0 : i32
    %c0_i32_1 = arith.constant 0 : i32
    return %c0_i32, %c0_i32_0 : i32, i32
  }
  func.func @transform_4(%arg0: i32) -> (i32, i32) {
    %c0_i32 = arith.constant 0 : i32
    %c0_i32_0 = arith.constant 0 : i32
    %c0_i32_1 = arith.constant 0 : i32
    return %c0_i32, %c0_i32_0 : i32, i32
  }
  func.func @transform_5(%arg0: i32) -> (i32, i32) {
    %c0_i32 = arith.constant 0 : i32
    %c0_i32_0 = arith.constant 0 : i32
    %c0_i32_1 = arith.constant 0 : i32
    return %c0_i32, %c0_i32_0 : i32, i32
  }
  func.func @transform_6(%arg0: i32) -> (i32, i32) {
    %c0_i32 = arith.constant 0 : i32
    %c0_i32_0 = arith.constant 0 : i32
    %c0_i32_1 = arith.constant 0 : i32
    return %c0_i32, %c0_i32_0 : i32, i32
  }
  func.func @transform_7(%arg0: i32) -> (i32, i32) {
    %c0_i32 = arith.constant 0 : i32
    %c0_i32_0 = arith.constant 0 : i32
    %c0_i32_1 = arith.constant 0 : i32
    return %c0_i32, %c0_i32_0 : i32, i32
  }
  func.func @transform_8(%arg0: i32) -> (i32, i32) {
    %c0_i32 = arith.constant 0 : i32
    %c0_i32_0 = arith.constant 0 : i32
    %c0_i32_1 = arith.constant 0 : i32
    return %c0_i32, %c0_i32_0 : i32, i32
  }
  func.func @transform_9(%arg0: i32) -> (i32, i32) {
    %c0_i32 = arith.constant 0 : i32
    %c0_i32_0 = arith.constant 0 : i32
    %c0_i32_1 = arith.constant 0 : i32
    return %c0_i32, %c0_i32_0 : i32, i32
  }
  func.func @transform_10(%arg0: i32) -> (i32, i32) {
    %c0_i32 = arith.constant 0 : i32
    %c0_i32_0 = arith.constant 0 : i32
    return %arg0, %c0_i32 : i32, i32
  }
  func.func @transform_11(%arg0: i32) -> (i32, i32) {
    %c0_i32 = arith.constant 0 : i32
    %c0_i32_0 = arith.constant 0 : i32
    return %arg0, %c0_i32 : i32, i32
  }
}

</mosaic_0001>

<sc_bundles>
// kernel: kernel.4.cloned.1.call-start
scs
__scs_entry_jumppad:
0x0: {  	(pc) =	sbr.rel $0x88, $3  }
0x1: {  	(tag) =	ssettag $0x0;
	lr =	simm.s32 $0x1  }
0x2: {  	[smem:$0x3F91] =	sst lr;
	_ =	strace $0xD0000000  }
0x3: {  	_ = 	snop  }
0x4: {  	_ = 	snop  }
0x5: {  	_ = 	snop  }
0x6: {  	_ = 	snop  }
0x7: {  	_ = 	snop  }
__scs_overlays_trampoline_lowered:
0x8: {  	[smem:$0x3FA0] =	sst s0  }
0x9: {  	[smem:$0x3FA1] =	sst s1  }
0xa: {  	[smem:$0x3FA2] =	sst s2  }
0xb: {  	[smem:$0x3FA3] =	sst s3  }
0xc: {  	[smem:$0x3FA4] =	sst s4  }
0xd: {  	[smem:$0x3FA5] =	sst s5  }
0xe: {  	[smem:$0x3FA6] =	sst s6  }
0xf: {  	[smem:$0x3FA7] =	sst s7  }
0x10: {  	[smem:$0x3FA8] =	sst s8  }
0x11: {  	[smem:$0x3FA9] =	sst s9;
	s0 =	simm.s32 @!p0 $0x0  }
0x12: {  	s1 =	sld [smem:$0x3F8F];
	s0 =	simm.s32 @p0 $0x1  }
0x13: {  	[smem:$0x3FAA] =	sst s0;
	s0 =	simm.s32 @!p1 $0x0  }
0x14: {  	s2 =	sld [smem:$0x3F8E];
	s0 =	simm.s32 @p1 $0x1  }
0x15: {  	[smem:$0x3FAB] =	sst s0;
	s0 =	simm.s32 @!p2 $0x0  }
0x16: {  	s3 =	sld [smem:$0x3FDB];
	s0 =	simm.s32 @p2 $0x1  }
0x17: {  	s4 =	simm.s32 $0x1BF5;
	[smem:$0x3FAD] =	sst s0  }
0x18: {  	s0 =	sld [smem:$0x3F90];
	_ =	swait.ge [sflag:s4], $0x0  }
0x19: {  	s7 =	sld [smem:$0x3F91]  }
0x1a: {  	s8 =	sadd.s32 $0xFFFFE003, lr  }
0x1b: {  	s9 =	sadd.s32 $0xFFFFFEF7, lr;
	s5 =	simm.s32 $0xFFFFFFFF;
	p2 =	slt.u32 s8, $0xFFFFF086  }
0x1c: {  	p1 =	slt.u32 s9, $0xF7A;
	s5 =	simm.s32 @!p2 $0x0  }
0x1d: {  	s5 =	simm.s32 @p1 $0x1;
	p0 =	seq.s32 s7, s2  }
0x1e: {  	s7 =	smul.u32 @!p0 $0xF7A, s2;
	p2 =	seq.s32 @!p0 s5, $0x0  }
0x1f: {  	s9 =	smul.u32 $0xF7A, s1;
	s8 =	simm.s32 @!p0 $0x1BF5;
	p2 =	por !p2, p0  }
0x20: {  	[sflag:s8] =	ssyncset.s32 @!p0 $0xFFFFF086;
	s6 =	sadd.s32 @!p0 s3, s7;
	s7 =	simm.s32 @!p0 $0x108  }
0x21: {  	s3 =	sadd.s32 s3, s9;
	s6 =	sadd.s32 @!p0 $0x88, s6;
	s7 =	simm.s32 @p2 $0x1082  }
0x22: {  	[simem:s7], [sflag:s8] =	dma.local @!p0 [hbm:s6], $0xF7A  }
0x23: {  	s9 =	sor.u32 $0xD0000000, s2;
	s6 =	simm.s32 $0x108;
	_ =	swait.ge @!p0 [sflag:s8], $0x0  }
0x24: {  	s3 =	sadd.s32 $0x88, s3;
	s6 =	simm.s32 @!p1 $0x1082;
	[sflag:s4] =	ssyncset.s32 $0xFFFFF086  }
0x25: {  	[simem:s6], [sflag:s4] =	dma.local [hbm:s3], $0xF7A  }
0x26: {  	[smem:$0x3F91] =	sst s1;
	(tag) =	ssettag s2;
	_ =	strace s9  }
0x27: {  	s1 =	sld [smem:$0x3FA1]  }
0x28: {  	s2 =	sld [smem:$0x3FA2]  }
0x29: {  	s4 =	sld [smem:$0x3FA4]  }
0x2a: {  	p0 =	seq.s32 s5, $0x0;
	s5 =	sld [smem:$0x3FA5]  }
0x2b: {  	s6 =	sld [smem:$0x3FA6]  }
0x2c: {  	s7 =	sld [smem:$0x3FA7]  }
0x2d: {  	s3 =	simm.s32 $0x108;
	s8 =	sld [smem:$0x3FA8]  }
0x2e: {  	s3 =	simm.s32 @!p0 $0x1082;
	s9 =	sld [smem:$0x3FA9]  }
0x2f: {  	lr =	sadd.s32 s0, s3;
	s0 =	sld [smem:$0x3FA0]  }
0x30: {  	s3 =	sld [smem:$0x3FA3]  }
0x31: {  	[smem:$0x3FAC] =	sst s10  }
0x32: {  	s10 =	sld [smem:$0x3FAA];
	_ =	sdelay $0x3  }
0x33: {  	p0 =	seq.s32 s10, $0x1;
	s10 =	sld [smem:$0x3FAC];
	_ =	sdelay $0x3  }
0x34: {  	[smem:$0x3FAC] =	sst s10  }
0x35: {  	s10 =	sld [smem:$0x3FAB];
	_ =	sdelay $0x3  }
0x36: {  	p1 =	seq.s32 s10, $0x1;
	s10 =	sld [smem:$0x3FAC];
	_ =	sdelay $0x3  }
0x37: {  	[smem:$0x3FAC] =	sst s10  }
0x38: {  	s10 =	sld [smem:$0x3FAD]  }
0x39: {  	_ = 	snop;
	(pc) =	sbr.ind lr, $3  }
0x3a: {  	_ = 	snop  }
0x3b: {  	_ = 	snop  }
0x3c: {  	p2 =	seq.s32 s10, $0x1;
	s10 =	sld [smem:$0x3FAC]  }
0x3d: {  	_ =	shalt  }
0x3e: {  	_ =	shalt  }
0x3f: {  	_ =	shalt  }
0x40: {  	_ =	shalt  }
0x41: {  	_ =	shalt  }
0x42: {  	_ =	shalt  }
0x43: {  	_ =	shalt  }
0x44: {  	_ =	shalt  }
0x45: {  	_ =	shalt  }
0x46: {  	_ =	shalt  }
0x47: {  	_ =	shalt  }
0x48: {  	_ =	shalt  }
0x49: {  	_ =	shalt  }
0x4a: {  	_ =	shalt  }
0x4b: {  	_ =	shalt  }
0x4c: {  	_ =	shalt  }
0x4d: {  	_ =	shalt  }
0x4e: {  	_ =	shalt  }
0x4f: {  	_ =	shalt  }
0x50: {  	_ =	shalt  }
0x51: {  	_ =	shalt  }
0x52: {  	_ =	shalt  }
0x53: {  	_ =	shalt  }
0x54: {  	_ =	shalt  }
0x55: {  	_ =	shalt  }
0x56: {  	_ =	shalt  }
0x57: {  	_ =	shalt  }
0x58: {  	_ =	shalt  }
0x59: {  	_ =	shalt  }
0x5a: {  	_ =	shalt  }
0x5b: {  	_ =	shalt  }
0x5c: {  	_ =	shalt  }
0x5d: {  	_ =	shalt  }
0x5e: {  	_ =	shalt  }
0x5f: {  	_ =	shalt  }
0x60: {  	_ =	shalt  }
0x61: {  	_ =	shalt  }
0x62: {  	_ =	shalt  }
0x63: {  	_ =	shalt  }
0x64: {  	_ =	shalt  }
0x65: {  	_ =	shalt  }
0x66: {  	_ =	shalt  }
0x67: {  	_ =	shalt  }
0x68: {  	_ =	shalt  }
0x69: {  	_ =	shalt  }
0x6a: {  	_ =	shalt  }
0x6b: {  	_ =	shalt  }
0x6c: {  	_ =	shalt  }
0x6d: {  	_ =	shalt  }
0x6e: {  	_ =	shalt  }
0x6f: {  	_ =	shalt  }
0x70: {  	_ =	shalt  }
0x71: {  	_ =	shalt  }
0x72: {  	_ =	shalt  }
0x73: {  	_ =	shalt  }
0x74: {  	_ =	shalt  }
0x75: {  	_ =	shalt  }
0x76: {  	_ =	shalt  }
0x77: {  	_ =	shalt  }
0x78: {  	_ =	shalt  }
0x79: {  	_ =	shalt  }
0x7a: {  	_ =	shalt  }
0x7b: {  	_ =	shalt  }
0x7c: {  	_ =	shalt  }
0x7d: {  	_ =	shalt  }
0x7e: {  	_ =	shalt  }
0x7f: {  	_ =	shalt  }
0x80: {  	_ =	shalt  }
0x81: {  	_ =	shalt  }
0x82: {  	_ =	shalt  }
0x83: {  	_ =	shalt  }
0x84: {  	_ =	shalt  }
0x85: {  	_ =	shalt  }
0x86: {  	_ =	shalt  }
0x87: {  	_ =	shalt  }
.Lfunc_end0:
.L_simem_size_0:
called_computation_lowered:
.L_overlay_start_0:
0x88: {  	s2 =	sld [smem:$0x3FD9]  }
0x89: {  	s3 =	sld [smem:$0x3FFE];
	_ =	sdelay $0x1  }
0x8a: {  	s1 =	srdreg.scid  }
0x8b: {  	s0 =	sand.u32 $0x1, s1  }
0x8c: {  	s14 =	sshll.u32 s0, $0xA;
	s2 =	sadd.s32 s3, s2  }
0x8d: {  	s2 =	sadd.s32 s2, s14  }
0x8e: {  	[smem:$0x3FB8] =	sst s2  }
0x8f: {  	_ = 	snop  }
0x90: {  	s2 =	sld [smem:$0x3FD0];
	_ =	sdelay $0x2  }
0x91: {  	s15 =	simm.s32 $0xA;
	s4 =	simm.s32 $0x10  }
0x92: {  	[smem:s4], [sflag:s15] =	dma.local [hbm:s2], $0x1  }
0x93: {  	_ =	swait.eq [sflag:s15], $0x1  }
0x94: {  	s16 =	sld [smem:$0x10];
	[sflag:s15] =	ssyncset.done $0x0  }
0x95: {  	s17 =	sld [smem:$0x11];
	[sflag:s15] =	ssyncadd.s32 $0xFFFFFFFF  }
0x96: {  	s18 =	sld [smem:$0x12];
	(tm) =	ssettm $0x1  }
0x97: {  	s5 =	sld [smem:$0x3FFB];
	_ =	sdelay $0x3  }
0x98: {  	_ =	strace s5  }
0x99: {  	s5 =	sld [smem:$0x3FFC];
	_ =	sdelay $0x3  }
0x9a: {  	_ =	strace s5  }
0x9b: {  	s5 =	sld [smem:$0x3FFD];
	_ =	sdelay $0x3  }
0x9c: {  	_ =	strace s5  }
0x9d: {  	_ =	strace $0x8FFFFFFF  }
0x9e: {  	s19 =	sld [smem:$0x3FDB];
	_ =	sdelay $0x1  }
0x9f: {  	s6 =	simm.s32 $_scs_section_size  }
0xa0: {  	s7 =	simm.s32 $_size__tile_overlayer_lowered;
	s8 =	simm.s32 $_tile_overlayer_lowered  }
0xa1: {  	s22 =	simm.s32 $0x1BFF;
	s21 =	sshll.u32 s8, $0x1;
	s5 =	sadd.s32 s6, s19  }
0xa2: {  	s9 =	simm.s32 $0x0;
	s20 =	sshll.u32 s7, $0x1;
	s7 =	sadd.s32 s21, s5  }
0xa3: {  	[timem:s9], [sflag:s22] =	dma.local [hbm:s7], s20  }
0xa4: {  	_ =	swait.ge [sflag:s22], s20  }
0xa5: {  	s6 =	ssub.s32 $0x0, s20;
	[sflag:s22] =	ssyncset.done $0x0  }
0xa6: {  	[sflag:s22] =	ssyncadd.s32 s6;
	_ =	sdelay $0x1  }
0xa7: {  	s23 =	simm.s32 $0x1B8B  }
0xa8: {  	_ =	swait.ge [sflag:s23], $0x1  }
0xa9: {  	[sflag:s23] =	ssyncset.done $0x0  }
0xaa: {  	s25 =	simm.s32 $0x1B8E;
	s24 =	sld [smem:$0x3FFE];
	[sflag:s23] =	ssyncadd.s32 $0xFFFFFFFF  }
0xab: {  	s26 =	simm.s32 $execute0_lowered;
	[smem:$0x3FD2] =	sst s25  }
0xac: {  	s7 =	sshll.u32 s26, $0x1;
	_ =	strace $0x80000046;
	[dreg:$0x1] =	wrdreg $0xFFFFFFFF  }
0xad: {  	s28 =	simm.s32 $_size_execute0_lowered;
	s5 =	sadd.s32 s5, s7;
	[dreg:$0x0] =	wrdreg $0x0  }
0xae: {  	s7 =	sshll.u32 s28, $0x1;
	[dreg:$0x2] =	wrdreg s5  }
0xaf: {  	[dreg:$0x3] =	wrdreg s7  }
0xb0: {  	[dreg:$0x4] =	wrdreg $0xC0  }
0xb1: {  	_ =	task [dreg:s9], $0x5FFFF  }
0xb2: {  	[dreg:$0x1] =	wrdreg $0xFFFFFFFF  }
0xb3: {  	[dreg:$0x0] =	wrdreg $0x60  }
0xb4: {  	[dreg:$0x2] =	wrdreg s16  }
0xb5: {  	[dreg:$0x3] =	wrdreg s17  }
0xb6: {  	[dreg:$0x4] =	wrdreg s18  }
0xb7: {  	[dreg:$0x5] =	wrdreg s24  }
0xb8: {  	[dreg:$0x6] =	wrdreg $0x9  }
0xb9: {  	_ =	task.clear_ibuf [dreg:s9], $0x7FFFF;
	_ =	strace $0x90000046  }
0xba: {  	s29 =	simm.s32 $0x9;
	_ =	strace $0x80000048  }
0xbb: {  	_ =	swait.ge [sflag:s29], $0x1  }
0xbc: {  	[sflag:s29] =	ssyncadd.s32 $0xFFFFFFFF  }
0xbd: {  	_ =	strace $0x90000048  }
0xbe: {  	_ =	sfence  }
0xbf: {  	s30 =	sld [smem:$0x0];
	_ =	sdelay $0x2  }
0xc0: {  	s31 =	sshll.u32 s1, $0xD;
	s1 =	sshrl.u32 s1, $0x2  }
0xc1: {  	s3 =	sand.u32 $0x4000, s31;
	s1 =	sadd.s32 s1, s30  }
0xc2: {  	s0 =	sor.u32 s3, s0;
	s1 =	sshll.u32 s1, $0x11  }
0xc3: {  	s0 =	sor.u32 s1, s0  }
0xc4: {  	s0 =	sadd.s32 $0x8F2B, s0  }
0xc5: {  	[sflag:s0] =	ssyncadd.remote.s32 $0x1  }
0xc6: {  	_ =	sfence.sel $0xFFFF  }
0xc7: {  	[dreg:$0x0] =	wrdreg $0xFFFFFFFF;
	(pc) =	sbr.abs _section_cstart, $3  }
0xc8: {  	[dreg:$0x1] =	wrdreg $0xFFFFFFFF  }
0xc9: {  	_ =	task.clear_ibuf [dreg:s9], $0x2FFFF;
	_ =	strace $0x9FFFFFFF  }
0xca: {  	(tm) =	ssettm $0x7FFFFFFF  }
0xcb: {  	_ =	shalt  }
tec
execute0_lowered:
.L_overlay_start_1:
0x0: {  	(tag) =	ssettag $0x1  }
0x1: {  	s1 =	rddreg [dreg:$0x0]  }
0x2: {  	s2 =	rddreg [dreg:$0x1]  }
0x3: {  	s5 =	rddreg [dreg:$0x2];
	s3 =	srdreg.scid  }
0x4: {  	s0 =	stileid.u32;
	s6 =	rddreg [dreg:$0x3];
	s4 =	simm.s32 $0x0  }
0x5: {  	s11 =	simm.s32 $0x800;
	s7 =	sand.u32 $0x1, s3;
	s8 =	sshll.u32 s0, $0x1  }
0x6: {  	s12 =	simm.s32 $0x6C00;
	s13 =	simm.s32 $0xD000;
	s8 =	sor.u32 s7, s8  }
0x7: {  	s3 =	rddreg [dreg:$0x4];
	s7 =	ssub.s32 $0x2, s7;
	s8 =	smul.u32 $0xC80, s8  }
0x8: {  	s14 =	simm.s32 $0x0;
	[smem:$0x7FF] =	sst s4;
	s9 =	sshrl.u32 s7, $0x1  }
0x9: {  	_ =	strace $0x80000047;
	s9 =	ssub.s32 s7, s9;
	s10 =	sadd.s32 s8, s6  }
0xa: {  	s5 =	sadd.s32 s5, s8;
	s8 =	smax.u32 s9, $0x1;
	s9 =	simm.s32 $0x1  }
0xb: {  	s6 =	sadd.s32 $0x1A400, s10;
	s7 =	sadd.s32 $0x1400, s10;
	s10 =	simm.s32 $0x400  }
.LBB2_1:
0xc: {  	[tilespmem:s4], [sflag:$0x1] =	stream.linear.gather [hbm4b:s1+s4], $0x400, $0x38;
	[tilespmem:$0x13400] =	vst v63  }
0xd: {  	_ =	swait.ge [sflag:s9], $0x400  }
0xe: {  	[sflag:s9] =	ssyncset.done $0x0  }
0xf: {  	[sflag:s9] =	ssyncadd.s32 $0xFFFFFC00  }
0x10: {  	[tilespmem:s10], [sflag:$0x1] =	stream.linear.gather [hbm4b:s2+s4], $0x400, $0x38;
	[tilespmem:$0x13400] =	vst v63  }
0x11: {  	_ =	swait.ge [sflag:s9], $0x400  }
0x12: {  	[sflag:s9] =	ssyncset.done $0x0  }
0x13: {  	[sflag:s9] =	ssyncadd.s32 $0xFFFFFC00  }
0x14: {  	[tilespmem:s11], [sflag:$0x1] =	stream.linear.gather [hbm4b:s5+s4], $0x6400, $0x38;
	[tilespmem:$0x13400] =	vst v63  }
0x15: {  	_ =	swait.ge [sflag:s9], $0x6400  }
0x16: {  	[sflag:s9] =	ssyncset.done $0x0  }
0x17: {  	s15 =	simm.s32 $0x840;
	[sflag:s9] =	ssyncadd.s32 $0xFFFF9C00  }
0x18: {  	v0 =	vld [tilespmem:s15+$0x30]  }
0x19: {  	v1 =	vld [tilespmem:s15+$0xFFFFFFD0]  }
0x1a: {  	v2 =	vld [tilespmem:s15+$0xFFFFFFE0]  }
0x1b: {  	v3 =	vld [tilespmem:s15+$0xFFFFFFF0]  }
0x1c: {  	v4 =	vld [tilespmem:s15+$0x0]  }
0x1d: {  	v5 =	vld [tilespmem:s15+$0x10]  }
0x1e: {  	v6 =	vld [tilespmem:s15+$0x20]  }
0x1f: {  	v7 =	vld [tilespmem:s15+$0xFFFFFFC0]  }
0x20: {  	v8 =	vld.idx.msk [tilespmem:v0+s4+$0x0], $0xffff  }
0x21: {  	v9 =	vld.idx.msk [tilespmem:v1+s4+$0x0], $0xffff  }
0x22: {  	v10 =	vld.idx.msk [tilespmem:v2+s4+$0x0], $0xffff  }
0x23: {  	v11 =	vld.idx.msk [tilespmem:v3+s4+$0x0], $0xffff  }
0x24: {  	v12 =	vld.idx.msk [tilespmem:v4+s4+$0x0], $0xffff  }
0x25: {  	s15 =	simm.s32 $0x6C40;
	v13 =	vld.idx.msk [tilespmem:v5+s4+$0x0], $0xffff  }
0x26: {  	v14 =	vld.idx.msk [tilespmem:v6+s4+$0x0], $0xffff;
	[tilespmem:s15+$0x30] =	vst v8  }
0x27: {  	v62 =	vld.idx.msk [tilespmem:v7+s4+$0x0], $0xffff;
	[tilespmem:s15+$0xFFFFFFD0] =	vst v9  }
0x28: {  	[tilespmem:s15+$0xFFFFFFE0] =	vst v10;
	v8 =	vld.idx.msk [tilespmem:v0+s10+$0x0], $0xffff  }
0x29: {  	[tilespmem:s15+$0xFFFFFFF0] =	vst v11;
	v63 =	vld.idx.msk [tilespmem:v1+s10+$0x0], $0xffff  }
0x2a: {  	[tilespmem:s15+$0x0] =	vst v12;
	v0 =	vld.idx.msk [tilespmem:v2+s10+$0x0], $0xffff  }
0x2b: {  	[tilespmem:s15+$0x10] =	vst v13;
	v1 =	vld.idx.msk [tilespmem:v3+s10+$0x0], $0xffff  }
0x2c: {  	[tilespmem:s15+$0x20] =	vst v14;
	v2 =	vld.idx.msk [tilespmem:v4+s10+$0x0], $0xffff  }
0x2d: {  	s16 =	simm.s32 $0xD040;
	[tilespmem:s15+$0xFFFFFFC0] =	vst v62;
	v3 =	vld.idx.msk [tilespmem:v5+s10+$0x0], $0xffff  }
0x2e: {  	v4 =	vld.idx.msk [tilespmem:v6+s10+$0x0], $0xffff;
	[tilespmem:s16+$0x30] =	vst v8  }
0x2f: {  	s17 =	simm.s32 $0x0;
	s18 =	simm.s32 $0x8C0;
	v5 =	vld.idx.msk [tilespmem:v7+s10+$0x0], $0xffff;
	[tilespmem:s16+$0xFFFFFFD0] =	vst v63  }
.LBB2_2:
0x30: {  	v6 =	vld [tilespmem:s18+$0x30];
	s17 =	sadd.s32 $0x8, s17;
	[tilespmem:s16+$0xFFFFFFE0] =	vst v0  }
0x31: {  	v0 =	vld [tilespmem:s18+$0xFFFFFFD0];
	p0 =	slt.u32 s17, $0x638;
	[tilespmem:s16+$0xFFFFFFF0] =	vst v1  }
0x32: {  	v1 =	vld [tilespmem:s18+$0xFFFFFFE0];
	[tilespmem:s16+$0x0] =	vst v2  }
0x33: {  	v2 =	vld [tilespmem:s18+$0xFFFFFFF0];
	[tilespmem:s16+$0x10] =	vst v3  }
0x34: {  	v3 =	vld [tilespmem:s18+$0x0];
	[tilespmem:s16+$0x20] =	vst v4  }
0x35: {  	v4 =	vld [tilespmem:s18+$0x10];
	[tilespmem:s16+$0xFFFFFFC0] =	vst v5  }
0x36: {  	v5 =	vld [tilespmem:s18+$0x20]  }
0x37: {  	v7 =	vld [tilespmem:s18+$0xFFFFFFC0]  }
0x38: {  	v8 =	vld.idx.msk [tilespmem:v6+s4+$0x0], $0xffff  }
0x39: {  	v9 =	vld.idx.msk [tilespmem:v0+s4+$0x0], $0xffff  }
0x3a: {  	v10 =	vld.idx.msk [tilespmem:v1+s4+$0x0], $0xffff  }
0x3b: {  	v11 =	vld.idx.msk [tilespmem:v2+s4+$0x0], $0xffff  }
0x3c: {  	v12 =	vld.idx.msk [tilespmem:v3+s4+$0x0], $0xffff  }
0x3d: {  	s15 =	sadd.s32 $0x80, s15;
	v13 =	vld.idx.msk [tilespmem:v4+s4+$0x0], $0xffff  }
0x3e: {  	v14 =	vld.idx.msk [tilespmem:v5+s4+$0x0], $0xffff;
	[tilespmem:s15+$0x30] =	vst v8  }
0x3f: {  	[tilespmem:s15+$0xFFFFFFD0] =	vst v9;
	v6 =	vld.idx.msk [tilespmem:v6+s10+$0x0], $0xffff  }
0x40: {  	v8 =	vld.idx.msk [tilespmem:v7+s4+$0x0], $0xffff;
	[tilespmem:s15+$0xFFFFFFE0] =	vst v10  }
0x41: {  	v9 =	vld.idx.msk [tilespmem:v0+s10+$0x0], $0xffff;
	[tilespmem:s15+$0xFFFFFFF0] =	vst v11  }
0x42: {  	v0 =	vld.idx.msk [tilespmem:v1+s10+$0x0], $0xffff;
	[tilespmem:s15+$0x0] =	vst v12  }
.Ltmp0:
0x43: {  	v1 =	vld.idx.msk [tilespmem:v2+s10+$0x0], $0xffff;
	[tilespmem:s15+$0x10] =	vst v13;
	(pc) =	sbr.rel @p0 .LBB2_2-.Ltmp0, $4  }
0x44: {  	s16 =	sadd.s32 $0x80, s16;
	v2 =	vld.idx.msk [tilespmem:v3+s10+$0x0], $0xffff;
	[tilespmem:s15+$0x20] =	vst v14  }
0x45: {  	v3 =	vld.idx.msk [tilespmem:v4+s10+$0x0], $0xffff;
	[tilespmem:s16+$0x30] =	vst v6  }
0x46: {  	[tilespmem:s15+$0xFFFFFFC0] =	vst v8;
	v4 =	vld.idx.msk [tilespmem:v5+s10+$0x0], $0xffff  }
0x47: {  	s18 =	sadd.s32 $0x80, s18;
	v5 =	vld.idx.msk [tilespmem:v7+s10+$0x0], $0xffff;
	[tilespmem:s16+$0xFFFFFFD0] =	vst v9  }
0x48: {  	[tilespmem:s16+$0xFFFFFFE0] =	vst v0  }
0x49: {  	[tilespmem:s16+$0xFFFFFFF0] =	vst v1  }
0x4a: {  	[tilespmem:s16+$0x0] =	vst v2  }
0x4b: {  	[tilespmem:s16+$0x10] =	vst v3  }
0x4c: {  	[tilespmem:s16+$0x20] =	vst v4  }
0x4d: {  	[tilespmem:s16+$0xFFFFFFC0] =	vst v5  }
0x4e: {  	[hbm4b:s6+s4] =	stream.linear.scatter [tilespmem:s12], [sflag:$0x1], $0x6400, $0x38;
	[tilespmem:$0x13400] =	vst v63  }
0x4f: {  	s14 =	sadd.s32 $0x1, s14;
	_ =	swait.ge [sflag:s9], $0x6400  }
0x50: {  	p0 =	sne.s32 s14, s8;
	[sflag:s9] =	ssyncset.done $0x0  }
.Ltmp1:
0x51: {  	[sflag:s9] =	ssyncadd.s32 $0xFFFF9C00;
	(pc) =	sbr.rel @p0 .LBB2_1-.Ltmp1, $4  }
0x52: {  	[hbm4b:s7+s4] =	stream.linear.scatter [tilespmem:s13], [sflag:$0x1], $0x6400, $0x38;
	[tilespmem:$0x13400] =	vst v63  }
0x53: {  	_ =	swait.ge [sflag:s9], $0x6400  }
0x54: {  	[sflag:s9] =	ssyncset.done $0x0  }
0x55: {  	[sflag:s9] =	ssyncadd.s32 $0xFFFF9C00  }
0x56: {  	_ =	sfence.sel $0x180000  }
0x57: {  	[bflag:$0x0] =	sbarrier.arrive $0xFFFF  }
0x58: {  	p0 =	sne.s32 s0, $0x0;
	_ =	strace $0x90000047  }
0x59: {  	s0 =	sadd.s32 @!p0 $0x100000, s3;
	[bflag:$0x2] =	sbarrier.arrive $0xFFFF  }
0x5a: {  	[sflag:s0] =	ssyncadd.tile.s32 @!p0 $0x1;
	_ =	shalt  }
.Lfunc_end2:
_tile_overlayer_lowered:
.L_overlay_start_2:
0x5b: {  	(tag) =	ssettag $0x2  }
0x5c: {  	s0 =	rddreg [dreg:$0x0];
	s2 =	stileid.u32  }
0x5d: {  	s1 =	rddreg [dreg:$0x1];
	p0 =	sne.s32 s2, $0x0  }
0x5e: {  	s3 =	rddreg [dreg:$0x2];
	[bflag:$0x3] =	sbarrier.arrive $0xFFFF;
	s2 =	simm.s32 @!p0 $0x1C01  }
0x5f: {  	[timem:s3], [sflag:s2] =	dma.local @!p0 [hbm:s0], s1  }
0x60: {  	s0 =	simm.s32 @!p0 $0x1  }
0x61: {  	_ =	swait.ge @!p0 [sflag:s0], s1  }
0x62: {  	s1 =	ssub.s32 @!p0 $0x0, s1;
	[sflag:s0] =	ssyncset.done @!p0 $0x0  }
0x63: {  	[sflag:s0] =	ssyncadd.s32 @!p0 s1  }
0x64: {  	[bflag:$0x3] =	sbarrier.arrive $0xFFFF  }
0x65: {  	_ =	shalt  }

</sc_bundles>
